<compile_context>
chip_gen: v7x
topology: tpu7x:2x2x1
jax: 0.10.2.dev20260603
libtpu: 0.0.44.dev20260713+nightly
codegen_flags: <defaults>
</compile_context>

<pallas_src>
import functools

import jax
import jax.numpy as jnp
from jax import lax
from jax.experimental import pallas as pl
from jax.experimental.pallas import tpu as pltpu
from jax.experimental.pallas import tpu_sc as plsc

N = 10000
NP = 10240
E = 320000
EP = 327680
F = 128
CH = 128
NCH = EP // (2 * 16 * CH)
EPT = EP // (2 * 16)
ROWS_PT = NP // 16

_MESH = plsc.VectorSubcoreMesh(core_axis_name="c", subcore_axis_name="s")



@functools.partial(
    pl.kernel,
    out_type=jax.ShapeDtypeStruct((2, NP), jnp.float32),
    mesh=_MESH,
    scratch_types=[
        pltpu.VMEM((NCH, 1, CH), jnp.int32),
        pltpu.VMEM((CH,), jnp.float32),
        pltpu.VMEM((ROWS_PT,), jnp.float32),
        pltpu.VMEM_SHARED((NP,), jnp.float32),
    ],
)
def _degree_kernel(col_hbm, hist_hbm, col_v, ones_v, zeros_v, hist_sh):
    cid = lax.axis_index("c")
    sid = lax.axis_index("s")

    @pl.loop(0, CH, step=16)
    def _(i):
        ones_v[pl.ds(i, 16)] = jnp.ones((16,), jnp.float32)

    @pl.loop(0, ROWS_PT, step=16)
    def _(i):
        zeros_v[pl.ds(i, 16)] = jnp.zeros((16,), jnp.float32)

    tbase = (cid * 16 + sid) * NCH
    pltpu.sync_copy(col_hbm.at[pl.ds(tbase, NCH)], col_v)

    pltpu.sync_copy(zeros_v, hist_sh.at[pl.ds(sid * ROWS_PT, ROWS_PT)])
    plsc.subcore_barrier()

    @pl.loop(0, NCH)
    def _(i):
        pltpu.sync_copy(ones_v, hist_sh.at[col_v.at[i, 0]], add=True)

    plsc.subcore_barrier()
    pltpu.sync_copy(hist_sh.at[pl.ds(sid * ROWS_PT, ROWS_PT)],
                    hist_hbm.at[cid, pl.ds(sid * ROWS_PT, ROWS_PT)])



@functools.partial(
    pl.kernel,
    out_type=jax.ShapeDtypeStruct((2, NP, F), jnp.float32),
    mesh=_MESH,
    scratch_types=[
        pltpu.VMEM((CH,), jnp.int32),
        pltpu.VMEM((CH,), jnp.int32),
        pltpu.VMEM((CH,), jnp.int32),
        pltpu.VMEM((CH,), jnp.int32),
        pltpu.VMEM((CH, F), jnp.float32),
        pltpu.VMEM((CH, F), jnp.float32),
        pltpu.VMEM_SHARED((NP, F), jnp.float32),
        pltpu.SemaphoreType.DMA,
        pltpu.SemaphoreType.DMA,
    ],
)
def _propagate_kernel(hp_hbm, row_hbm, col_hbm, out_hbm,
                      ridx0, cidx0, ridx1, cidx1, buf0, buf1,
                      acc_sh, sem0, sem1):
    cid = lax.axis_index("c")
    sid = lax.axis_index("s")

    pltpu.sync_copy(hp_hbm.at[pl.ds(sid * ROWS_PT, ROWS_PT)],
                    acc_sh.at[pl.ds(sid * ROWS_PT, ROWS_PT)])
    plsc.subcore_barrier()

    base = cid * (EP // 2) + sid * EPT

    pltpu.sync_copy(row_hbm.at[pl.ds(base, CH)], ridx0)
    pltpu.sync_copy(col_hbm.at[pl.ds(base, CH)], cidx0)
    pltpu.async_copy(hp_hbm.at[ridx0], buf0, sem0)
    pltpu.sync_copy(row_hbm.at[pl.ds(base + CH, CH)], ridx1)
    pltpu.sync_copy(col_hbm.at[pl.ds(base + CH, CH)], cidx1)
    pltpu.async_copy(hp_hbm.at[ridx1], buf1, sem1)

    @pl.loop(0, NCH, step=2)
    def _(j):
        pltpu.make_async_copy(hp_hbm.at[ridx0], buf0, sem0).wait()
        pltpu.sync_copy(buf0, acc_sh.at[cidx0], add=True)

        @pl.when(j + 2 < NCH)
        def _():
            pltpu.sync_copy(row_hbm.at[pl.ds(base + (j + 2) * CH, CH)], ridx0)
            pltpu.async_copy(hp_hbm.at[ridx0], buf0, sem0)
            pltpu.sync_copy(col_hbm.at[pl.ds(base + (j + 2) * CH, CH)], cidx0)

        pltpu.make_async_copy(hp_hbm.at[ridx1], buf1, sem1).wait()
        pltpu.sync_copy(buf1, acc_sh.at[cidx1], add=True)

        @pl.when(j + 3 < NCH)
        def _():
            pltpu.sync_copy(row_hbm.at[pl.ds(base + (j + 3) * CH, CH)], ridx1)
            pltpu.async_copy(hp_hbm.at[ridx1], buf1, sem1)
            pltpu.sync_copy(col_hbm.at[pl.ds(base + (j + 3) * CH, CH)], cidx1)

    plsc.subcore_barrier()
    pltpu.sync_copy(acc_sh.at[pl.ds(sid * ROWS_PT, ROWS_PT)],
                    out_hbm.at[cid, pl.ds(sid * ROWS_PT, ROWS_PT)])



def _matmul_body(x_ref, w_ref, o_ref):
    o_ref[...] = lax.dot_general(
        x_ref[...], w_ref[...], (((1,), (1,)), ((), ())),
        precision=lax.Precision.HIGHEST,
        preferred_element_type=jnp.float32)


def _scale_body(hist_ref, h_ref, o_ref):
    deg = hist_ref[0, :] + hist_ref[1, :] + 1.0
    dis = lax.rsqrt(deg)
    o_ref[...] = h_ref[...] * dis[:, None]


def _final_body(acc_ref, hp_ref, hist_ref, b_ref, o_ref):
    deg = hist_ref[0, :] + hist_ref[1, :] + 1.0
    dis = lax.rsqrt(deg)
    s = acc_ref[0] + acc_ref[1] - hp_ref[...]
    o_ref[...] = s * dis[:, None] + b_ref[...][None, :]


_RB = 1280
_NRB = NP // _RB


def kernel(x, edge_index, W, bias):
    x2 = jnp.concatenate(
        [x[0], jnp.zeros((NP - N, F), jnp.float32)], axis=0)
    row = jnp.concatenate(
        [edge_index[0], jnp.zeros((EP - E,), jnp.int32)])
    col = jnp.concatenate(
        [edge_index[1],
         N + (jnp.arange(EP - E, dtype=jnp.int32) % (NP - N))])

    hist = _degree_kernel(col.reshape(2 * 16 * NCH, 1, CH))

    h = pl.pallas_call(
        _matmul_body,
        grid=(_NRB,),
        in_specs=[pl.BlockSpec((_RB, F), lambda i: (i, 0)),
                  pl.BlockSpec((F, F), lambda i: (0, 0))],
        out_specs=pl.BlockSpec((_RB, F), lambda i: (i, 0)),
        out_shape=jax.ShapeDtypeStruct((NP, F), jnp.float32),
    )(x2, W)

    hp = pl.pallas_call(
        _scale_body,
        grid=(_NRB,),
        in_specs=[pl.BlockSpec((2, _RB), lambda i: (0, i)),
                  pl.BlockSpec((_RB, F), lambda i: (i, 0))],
        out_specs=pl.BlockSpec((_RB, F), lambda i: (i, 0)),
        out_shape=jax.ShapeDtypeStruct((NP, F), jnp.float32),
    )(hist, h)

    acc = _propagate_kernel(hp, row, col)

    out = pl.pallas_call(
        _final_body,
        grid=(_NRB,),
        in_specs=[pl.BlockSpec((2, _RB, F), lambda i: (0, i, 0)),
                  pl.BlockSpec((_RB, F), lambda i: (i, 0)),
                  pl.BlockSpec((2, _RB), lambda i: (0, i)),
                  pl.BlockSpec((F,), lambda i: (0,))],
        out_specs=pl.BlockSpec((_RB, F), lambda i: (i, 0)),
        out_shape=jax.ShapeDtypeStruct((NP, F), jnp.float32),
    )(acc, hp, hist, bias)

    return out[:N][None]

# --- scband reference (transcript-rebuilt; emitter-appended) ---
"""Pipeline reference for scband-stgan-6373731467926 (READ-ONLY COPY).

The authoritative reference and input builder live on the scoring server;
editing this copy changes nothing except your own understanding.
"""

import jax, jax.numpy as jnp
import numpy as np

B = 1
N_NODES = 10000
N_EDGES = 320000
F = 128


def setup_inputs(seed: int = 0) -> dict:
    key = jax.random.key(seed)
    k1, k2, k3, k4 = jax.random.split(key, 4)
    x = jax.random.normal(k1, (B, N_NODES, F), dtype=jnp.float32)
    edge_index = jax.random.randint(k2, (2, N_EDGES), 0, N_NODES, dtype=jnp.int32)
    W = jax.random.normal(k3, (F, F), dtype=jnp.float32) * 0.05
    bias = jax.random.normal(k4, (F,), dtype=jnp.float32) * 0.05
    return {"x": x, "edge_index": edge_index, "W": W, "bias": bias}


def reference(x, edge_index, W, bias):
    # EventGAN (GCN-style) forward: add_self_loops -> linear -> sym-norm -> scatter-add -> bias
    N = x.shape[1]
    loops = jnp.arange(N, dtype=edge_index.dtype)
    ei = jnp.concatenate([edge_index, jnp.stack([loops, loops], axis=0)], axis=1)
    h = x @ W.T  # fc (no bias)
    row, col = ei[0], ei[1]  # row = source (j), col = target (i)
    deg = jnp.zeros((N,), dtype=h.dtype).at[col].add(1.0)  # degree(col, N)
    deg_inv_sqrt = jnp.where(deg > 0, deg ** -0.5, 0.0)
    norm = deg_inv_sqrt[row] * deg_inv_sqrt[col]
    msgs = norm[None, :, None] * jnp.take(h, row, axis=1)  # message: norm * x_j
    out = jnp.zeros_like(h).at[:, col, :].add(msgs)  # sum aggregation at target nodes
    return out + bias

if __name__ == "__main__":
    import jax
    _d = setup_inputs()
    print(jax.jit(kernel)(*tuple(_d.values())))

</pallas_src>

<mosaic_0001>
#map = affine_map<(d0, d1) -> (0, 0)>
#map1 = affine_map<(d0, d1) -> (0)>
#map2 = affine_map<(d0, d1) -> (0, 0, 0)>
module attributes {stable_mosaic.version = 14 : i64} {
  func.func @_propagate_kernel(%arg0: i32, %arg1: i32, %arg2: memref<10240x128xf32, #tpu.memory_space<hbm>>, %arg3: memref<327680xi32, #tpu.memory_space<hbm>>, %arg4: memref<327680xi32, #tpu.memory_space<hbm>>, %arg5: memref<2x10240x128xf32, #tpu.memory_space<hbm>>, %arg6: memref<128xi32, #tpu.memory_space<vmem>>, %arg7: memref<128xi32, #tpu.memory_space<vmem>>, %arg8: memref<128xi32, #tpu.memory_space<vmem>>, %arg9: memref<128xi32, #tpu.memory_space<vmem>>, %arg10: memref<128x128xf32, #tpu.memory_space<vmem>>, %arg11: memref<128x128xf32, #tpu.memory_space<vmem>>, %arg12: memref<10240x128xf32, #tpu.memory_space<vmem_shared>>, %arg13: memref<!tpu.dma_semaphore, #tpu.memory_space<semaphore_mem>>, %arg14: memref<!tpu.dma_semaphore, #tpu.memory_space<semaphore_mem>>) attributes {dimension_semantics = [#tpu.dimension_semantics<core_parallel>, #tpu.dimension_semantics<subcore_parallel>], iteration_bounds = array<i64: 2, 16>, scalar_prefetch = 0 : i64, scratch_operands = 9 : i64, tpu.core_type = #tpu.core_type<sc_vector_subcore>, window_params = [{transform_indices = #map}, {transform_indices = #map1}, {transform_indices = #map1}, {transform_indices = #map2}]} {
    %mul3A = arith.constant 640 : i32
    %mul3A_0 = arith.muli %arg1, %mul3A : i32
    %mul3A_1 = arith.constant 640 : i32
    %mul3A_2 = arith.muli %arg1, %mul3A_1 : i32
    "tpu.region"() ({
      %run_scoped3A = tpu.sem_alloc : memref<!tpu.dma_semaphore, #tpu.memory_space<semaphore_mem>>
      %dma_start3A_25 = arith.constant 0 : i32
      %dma_start3A_26 = tpu.memref_slice %arg12[%mul3A_2, %dma_start3A_25] : memref<10240x128xf32, #tpu.memory_space<vmem_shared>> -> memref<640x128xf32, #tpu.memory_space<vmem_shared>>
      %dma_start3A_27 = arith.constant 0 : i32
      %dma_start3A_28 = tpu.memref_slice %arg2[%mul3A_0, %dma_start3A_27] : memref<10240x128xf32, #tpu.memory_space<hbm>> -> memref<640x128xf32, #tpu.memory_space<hbm>>
      tpu.enqueue_dma source(%dma_start3A_28 : memref<640x128xf32, #tpu.memory_space<hbm>>) target(%dma_start3A_26 : memref<640x128xf32, #tpu.memory_space<vmem_shared>>) target_semaphore(%run_scoped3A : memref<!tpu.dma_semaphore, #tpu.memory_space<semaphore_mem>>)
      %dma_wait3A = arith.constant 0 : i32
      %dma_wait3A_29 = tpu.memref_slice %arg12[%mul3A_2, %dma_wait3A] : memref<10240x128xf32, #tpu.memory_space<vmem_shared>> -> memref<640x128xf32, #tpu.memory_space<vmem_shared>>
      %dma_wait3A_30 = arith.constant 0 : i32
      %dma_wait3A_31 = tpu.memref_slice %arg2[%mul3A_0, %dma_wait3A_30] : memref<10240x128xf32, #tpu.memory_space<hbm>> -> memref<640x128xf32, #tpu.memory_space<hbm>>
      tpu.wait_dma2 semaphore(%run_scoped3A : memref<!tpu.dma_semaphore, #tpu.memory_space<semaphore_mem>>) src(%dma_wait3A_31 : memref<640x128xf32, #tpu.memory_space<hbm>>) dst(%dma_wait3A_29 : memref<640x128xf32, #tpu.memory_space<vmem_shared>>)
      tpu.yield
    }) : () -> ()
    %barrier3A = arith.constant 0 : index
    tpu.barrier barrier_id(%barrier3A)
    %mul3A_3 = arith.constant 163840 : i32
    %mul3A_4 = arith.muli %arg0, %mul3A_3 : i32
    %mul3A_5 = arith.constant 10240 : i32
    %mul3A_6 = arith.muli %arg1, %mul3A_5 : i32
    %add3A = arith.addi %mul3A_4, %mul3A_6 : i32
    "tpu.region"() ({
      %run_scoped3A = tpu.sem_alloc : memref<!tpu.dma_semaphore, #tpu.memory_space<semaphore_mem>>
      %dma_start3A_25 = tpu.memref_slice %arg3[%add3A] : memref<327680xi32, #tpu.memory_space<hbm>> -> memref<128xi32, #tpu.memory_space<hbm>>
      %dma_start3A_26 = tpu.memref_slice %arg3[%add3A] : memref<327680xi32, #tpu.memory_space<hbm>> -> memref<128xi32, #tpu.memory_space<hbm>>
      tpu.enqueue_dma source(%dma_start3A_26 : memref<128xi32, #tpu.memory_space<hbm>>) target(%arg6 : memref<128xi32, #tpu.memory_space<vmem>>) target_semaphore(%run_scoped3A : memref<!tpu.dma_semaphore, #tpu.memory_space<semaphore_mem>>)
      %dma_wait3A = tpu.memref_slice %arg3[%add3A] : memref<327680xi32, #tpu.memory_space<hbm>> -> memref<128xi32, #tpu.memory_space<hbm>>
      %dma_wait3A_27 = tpu.memref_slice %arg3[%add3A] : memref<327680xi32, #tpu.memory_space<hbm>> -> memref<128xi32, #tpu.memory_space<hbm>>
      tpu.wait_dma2 semaphore(%run_scoped3A : memref<!tpu.dma_semaphore, #tpu.memory_space<semaphore_mem>>) src(%dma_wait3A_27 : memref<128xi32, #tpu.memory_space<hbm>>) dst(%arg6 : memref<128xi32, #tpu.memory_space<vmem>>)
      tpu.yield
    }) : () -> ()
    "tpu.region"() ({
      %run_scoped3A = tpu.sem_alloc : memref<!tpu.dma_semaphore, #tpu.memory_space<semaphore_mem>>
      %dma_start3A_25 = tpu.memref_slice %arg4[%add3A] : memref<327680xi32, #tpu.memory_space<hbm>> -> memref<128xi32, #tpu.memory_space<hbm>>
      %dma_start3A_26 = tpu.memref_slice %arg4[%add3A] : memref<327680xi32, #tpu.memory_space<hbm>> -> memref<128xi32, #tpu.memory_space<hbm>>
      tpu.enqueue_dma source(%dma_start3A_26 : memref<128xi32, #tpu.memory_space<hbm>>) target(%arg7 : memref<128xi32, #tpu.memory_space<vmem>>) target_semaphore(%run_scoped3A : memref<!tpu.dma_semaphore, #tpu.memory_space<semaphore_mem>>)
      %dma_wait3A = tpu.memref_slice %arg4[%add3A] : memref<327680xi32, #tpu.memory_space<hbm>> -> memref<128xi32, #tpu.memory_space<hbm>>
      %dma_wait3A_27 = tpu.memref_slice %arg4[%add3A] : memref<327680xi32, #tpu.memory_space<hbm>> -> memref<128xi32, #tpu.memory_space<hbm>>
      tpu.wait_dma2 semaphore(%run_scoped3A : memref<!tpu.dma_semaphore, #tpu.memory_space<semaphore_mem>>) src(%dma_wait3A_27 : memref<128xi32, #tpu.memory_space<hbm>>) dst(%arg7 : memref<128xi32, #tpu.memory_space<vmem>>)
      tpu.yield
    }) : () -> ()
    %dma_start3A = arith.constant 0 : i32
    %dma_start3A_7 = arith.constant 0 : i32
    %dma_start3A_8 = tpu.memref_slice %arg2[%dma_start3A, %dma_start3A_7] : memref<10240x128xf32, #tpu.memory_space<hbm>> -> memref<10240x128xf32, #tpu.memory_space<hbm>>
    tpu.enqueue_indirect_dma source(%dma_start3A_8 : memref<10240x128xf32, #tpu.memory_space<hbm>>) target(%arg10 : memref<128x128xf32, #tpu.memory_space<vmem>>) offsets(%arg6 : memref<128xi32, #tpu.memory_space<vmem>>) semaphore(%arg13 : memref<!tpu.dma_semaphore, #tpu.memory_space<semaphore_mem>>)
    %add3A_9 = arith.constant 128 : i32
    %add3A_10 = arith.addi %add3A, %add3A_9 : i32
    "tpu.region"() ({
      %run_scoped3A = tpu.sem_alloc : memref<!tpu.dma_semaphore, #tpu.memory_space<semaphore_mem>>
      %dma_start3A_25 = tpu.memref_slice %arg3[%add3A_10] : memref<327680xi32, #tpu.memory_space<hbm>> -> memref<128xi32, #tpu.memory_space<hbm>>
      %dma_start3A_26 = tpu.memref_slice %arg3[%add3A_10] : memref<327680xi32, #tpu.memory_space<hbm>> -> memref<128xi32, #tpu.memory_space<hbm>>
      tpu.enqueue_dma source(%dma_start3A_26 : memref<128xi32, #tpu.memory_space<hbm>>) target(%arg8 : memref<128xi32, #tpu.memory_space<vmem>>) target_semaphore(%run_scoped3A : memref<!tpu.dma_semaphore, #tpu.memory_space<semaphore_mem>>)
      %dma_wait3A = tpu.memref_slice %arg3[%add3A_10] : memref<327680xi32, #tpu.memory_space<hbm>> -> memref<128xi32, #tpu.memory_space<hbm>>
      %dma_wait3A_27 = tpu.memref_slice %arg3[%add3A_10] : memref<327680xi32, #tpu.memory_space<hbm>> -> memref<128xi32, #tpu.memory_space<hbm>>
      tpu.wait_dma2 semaphore(%run_scoped3A : memref<!tpu.dma_semaphore, #tpu.memory_space<semaphore_mem>>) src(%dma_wait3A_27 : memref<128xi32, #tpu.memory_space<hbm>>) dst(%arg8 : memref<128xi32, #tpu.memory_space<vmem>>)
      tpu.yield
    }) : () -> ()
    %add3A_11 = arith.constant 128 : i32
    %add3A_12 = arith.addi %add3A, %add3A_11 : i32
    "tpu.region"() ({
      %run_scoped3A = tpu.sem_alloc : memref<!tpu.dma_semaphore, #tpu.memory_space<semaphore_mem>>
      %dma_start3A_25 = tpu.memref_slice %arg4[%add3A_12] : memref<327680xi32, #tpu.memory_space<hbm>> -> memref<128xi32, #tpu.memory_space<hbm>>
      %dma_start3A_26 = tpu.memref_slice %arg4[%add3A_12] : memref<327680xi32, #tpu.memory_space<hbm>> -> memref<128xi32, #tpu.memory_space<hbm>>
      tpu.enqueue_dma source(%dma_start3A_26 : memref<128xi32, #tpu.memory_space<hbm>>) target(%arg9 : memref<128xi32, #tpu.memory_space<vmem>>) target_semaphore(%run_scoped3A : memref<!tpu.dma_semaphore, #tpu.memory_space<semaphore_mem>>)
      %dma_wait3A = tpu.memref_slice %arg4[%add3A_12] : memref<327680xi32, #tpu.memory_space<hbm>> -> memref<128xi32, #tpu.memory_space<hbm>>
      %dma_wait3A_27 = tpu.memref_slice %arg4[%add3A_12] : memref<327680xi32, #tpu.memory_space<hbm>> -> memref<128xi32, #tpu.memory_space<hbm>>
      tpu.wait_dma2 semaphore(%run_scoped3A : memref<!tpu.dma_semaphore, #tpu.memory_space<semaphore_mem>>) src(%dma_wait3A_27 : memref<128xi32, #tpu.memory_space<hbm>>) dst(%arg9 : memref<128xi32, #tpu.memory_space<vmem>>)
      tpu.yield
    }) : () -> ()
    %dma_start3A_13 = arith.constant 0 : i32
    %dma_start3A_14 = arith.constant 0 : i32
    %dma_start3A_15 = tpu.memref_slice %arg2[%dma_start3A_13, %dma_start3A_14] : memref<10240x128xf32, #tpu.memory_space<hbm>> -> memref<10240x128xf32, #tpu.memory_space<hbm>>
    tpu.enqueue_indirect_dma source(%dma_start3A_15 : memref<10240x128xf32, #tpu.memory_space<hbm>>) target(%arg11 : memref<128x128xf32, #tpu.memory_space<vmem>>) offsets(%arg8 : memref<128xi32, #tpu.memory_space<vmem>>) semaphore(%arg14 : memref<!tpu.dma_semaphore, #tpu.memory_space<semaphore_mem>>)
    %scan3A = arith.constant 0 : i32
    %scan3A_16 = arith.constant 40 : i32
    %scan3A_17 = arith.addi %scan3A, %scan3A_16 : i32
    %scan3A_18 = arith.constant 1 : i32
    scf.for %scan3A_25 = %scan3A to %scan3A_17 step %scan3A_18  : i32 {
      %mul3A_26 = arith.constant 2 : i32
      %mul3A_27 = arith.muli %scan3A_25, %mul3A_26 : i32
      %add3A_28 = arith.constant 0 : i32
      %add3A_29 = arith.addi %add3A_28, %mul3A_27 : i32
      %dma_wait3A = arith.constant 0 : i32
      %dma_wait3A_30 = arith.constant 0 : i32
      %dma_wait3A_31 = tpu.memref_slice %arg2[%dma_wait3A, %dma_wait3A_30] : memref<10240x128xf32, #tpu.memory_space<hbm>> -> memref<10240x128xf32, #tpu.memory_space<hbm>>
      tpu.wait_indirect_dma semaphore(%arg13 : memref<!tpu.dma_semaphore, #tpu.memory_space<semaphore_mem>>) src(%dma_wait3A_31 : memref<10240x128xf32, #tpu.memory_space<hbm>>) dst(%arg10 : memref<128x128xf32, #tpu.memory_space<vmem>>)
      "tpu.region"() ({
        %run_scoped3A = tpu.sem_alloc : memref<!tpu.dma_semaphore, #tpu.memory_space<semaphore_mem>>
        %dma_start3A_46 = arith.constant 0 : i32
        %dma_start3A_47 = arith.constant 0 : i32
        %dma_start3A_48 = tpu.memref_slice %arg12[%dma_start3A_46, %dma_start3A_47] : memref<10240x128xf32, #tpu.memory_space<vmem_shared>> -> memref<10240x128xf32, #tpu.memory_space<vmem_shared>>
        tpu.enqueue_indirect_dma source(%arg10 : memref<128x128xf32, #tpu.memory_space<vmem>>) target(%dma_start3A_48 : memref<10240x128xf32, #tpu.memory_space<vmem_shared>>) offsets(%arg7 : memref<128xi32, #tpu.memory_space<vmem>>) semaphore(%run_scoped3A : memref<!tpu.dma_semaphore, #tpu.memory_space<semaphore_mem>>) {add = true}
        %dma_wait3A_49 = arith.constant 0 : i32
        %dma_wait3A_50 = arith.constant 0 : i32
        %dma_wait3A_51 = tpu.memref_slice %arg12[%dma_wait3A_49, %dma_wait3A_50] : memref<10240x128xf32, #tpu.memory_space<vmem_shared>> -> memref<10240x128xf32, #tpu.memory_space<vmem_shared>>
        tpu.wait_indirect_dma semaphore(%run_scoped3A : memref<!tpu.dma_semaphore, #tpu.memory_space<semaphore_mem>>) src(%arg10 : memref<128x128xf32, #tpu.memory_space<vmem>>) dst(%dma_wait3A_51 : memref<10240x128xf32, #tpu.memory_space<vmem_shared>>)
        tpu.yield
      }) : () -> ()
      %add3A_32 = arith.constant 2 : i32
      %add3A_33 = arith.addi %add3A_29, %add3A_32 : i32
      %lt3A = arith.constant 80 : i32
      %lt3A_34 = arith.cmpi slt, %add3A_33, %lt3A : i32
      %convert_element_type3A = arith.extui %lt3A_34 : i1 to i32
      %cond3A = arith.constant 0 : i32
      %cond3A_35 = arith.cmpi ne, %convert_element_type3A, %cond3A : i32
      scf.if %cond3A_35 {
        %add3A_46 = arith.constant 2 : i32
        %add3A_47 = arith.addi %add3A_29, %add3A_46 : i32
        %mul3A_48 = arith.constant 128 : i32
        %mul3A_49 = arith.muli %add3A_47, %mul3A_48 : i32
        %add3A_50 = arith.addi %add3A, %mul3A_49 : i32
        "tpu.region"() ({
          %run_scoped3A = tpu.sem_alloc : memref<!tpu.dma_semaphore, #tpu.memory_space<semaphore_mem>>
          %dma_start3A_59 = tpu.memref_slice %arg3[%add3A_50] : memref<327680xi32, #tpu.memory_space<hbm>> -> memref<128xi32, #tpu.memory_space<hbm>>
          %dma_start3A_60 = tpu.memref_slice %arg3[%add3A_50] : memref<327680xi32, #tpu.memory_space<hbm>> -> memref<128xi32, #tpu.memory_space<hbm>>
          tpu.enqueue_dma source(%dma_start3A_60 : memref<128xi32, #tpu.memory_space<hbm>>) target(%arg6 : memref<128xi32, #tpu.memory_space<vmem>>) target_semaphore(%run_scoped3A : memref<!tpu.dma_semaphore, #tpu.memory_space<semaphore_mem>>)
          %dma_wait3A_61 = tpu.memref_slice %arg3[%add3A_50] : memref<327680xi32, #tpu.memory_space<hbm>> -> memref<128xi32, #tpu.memory_space<hbm>>
          %dma_wait3A_62 = tpu.memref_slice %arg3[%add3A_50] : memref<327680xi32, #tpu.memory_space<hbm>> -> memref<128xi32, #tpu.memory_space<hbm>>
          tpu.wait_dma2 semaphore(%run_scoped3A : memref<!tpu.dma_semaphore, #tpu.memory_space<semaphore_mem>>) src(%dma_wait3A_62 : memref<128xi32, #tpu.memory_space<hbm>>) dst(%arg6 : memref<128xi32, #tpu.memory_space<vmem>>)
          tpu.yield
        }) : () -> ()
        %dma_start3A_51 = arith.constant 0 : i32
        %dma_start3A_52 = arith.constant 0 : i32
        %dma_start3A_53 = tpu.memref_slice %arg2[%dma_start3A_51, %dma_start3A_52] : memref<10240x128xf32, #tpu.memory_space<hbm>> -> memref<10240x128xf32, #tpu.memory_space<hbm>>
        tpu.enqueue_indirect_dma source(%dma_start3A_53 : memref<10240x128xf32, #tpu.memory_space<hbm>>) target(%arg10 : memref<128x128xf32, #tpu.memory_space<vmem>>) offsets(%arg6 : memref<128xi32, #tpu.memory_space<vmem>>) semaphore(%arg13 : memref<!tpu.dma_semaphore, #tpu.memory_space<semaphore_mem>>)
        %add3A_54 = arith.constant 2 : i32
        %add3A_55 = arith.addi %add3A_29, %add3A_54 : i32
        %mul3A_56 = arith.constant 128 : i32
        %mul3A_57 = arith.muli %add3A_55, %mul3A_56 : i32
        %add3A_58 = arith.addi %add3A, %mul3A_57 : i32
        "tpu.region"() ({
          %run_scoped3A = tpu.sem_alloc : memref<!tpu.dma_semaphore, #tpu.memory_space<semaphore_mem>>
          %dma_start3A_59 = tpu.memref_slice %arg4[%add3A_58] : memref<327680xi32, #tpu.memory_space<hbm>> -> memref<128xi32, #tpu.memory_space<hbm>>
          %dma_start3A_60 = tpu.memref_slice %arg4[%add3A_58] : memref<327680xi32, #tpu.memory_space<hbm>> -> memref<128xi32, #tpu.memory_space<hbm>>
          tpu.enqueue_dma source(%dma_start3A_60 : memref<128xi32, #tpu.memory_space<hbm>>) target(%arg7 : memref<128xi32, #tpu.memory_space<vmem>>) target_semaphore(%run_scoped3A : memref<!tpu.dma_semaphore, #tpu.memory_space<semaphore_mem>>)
          %dma_wait3A_61 = tpu.memref_slice %arg4[%add3A_58] : memref<327680xi32, #tpu.memory_space<hbm>> -> memref<128xi32, #tpu.memory_space<hbm>>
          %dma_wait3A_62 = tpu.memref_slice %arg4[%add3A_58] : memref<327680xi32, #tpu.memory_space<hbm>> -> memref<128xi32, #tpu.memory_space<hbm>>
          tpu.wait_dma2 semaphore(%run_scoped3A : memref<!tpu.dma_semaphore, #tpu.memory_space<semaphore_mem>>) src(%dma_wait3A_62 : memref<128xi32, #tpu.memory_space<hbm>>) dst(%arg7 : memref<128xi32, #tpu.memory_space<vmem>>)
          tpu.yield
        }) : () -> ()
      } else {
      }
      %dma_wait3A_36 = arith.constant 0 : i32
      %dma_wait3A_37 = arith.constant 0 : i32
      %dma_wait3A_38 = tpu.memref_slice %arg2[%dma_wait3A_36, %dma_wait3A_37] : memref<10240x128xf32, #tpu.memory_space<hbm>> -> memref<10240x128xf32, #tpu.memory_space<hbm>>
      tpu.wait_indirect_dma semaphore(%arg14 : memref<!tpu.dma_semaphore, #tpu.memory_space<semaphore_mem>>) src(%dma_wait3A_38 : memref<10240x128xf32, #tpu.memory_space<hbm>>) dst(%arg11 : memref<128x128xf32, #tpu.memory_space<vmem>>)
      "tpu.region"() ({
        %run_scoped3A = tpu.sem_alloc : memref<!tpu.dma_semaphore, #tpu.memory_space<semaphore_mem>>
        %dma_start3A_46 = arith.constant 0 : i32
        %dma_start3A_47 = arith.constant 0 : i32
        %dma_start3A_48 = tpu.memref_slice %arg12[%dma_start3A_46, %dma_start3A_47] : memref<10240x128xf32, #tpu.memory_space<vmem_shared>> -> memref<10240x128xf32, #tpu.memory_space<vmem_shared>>
        tpu.enqueue_indirect_dma source(%arg11 : memref<128x128xf32, #tpu.memory_space<vmem>>) target(%dma_start3A_48 : memref<10240x128xf32, #tpu.memory_space<vmem_shared>>) offsets(%arg9 : memref<128xi32, #tpu.memory_space<vmem>>) semaphore(%run_scoped3A : memref<!tpu.dma_semaphore, #tpu.memory_space<semaphore_mem>>) {add = true}
        %dma_wait3A_49 = arith.constant 0 : i32
        %dma_wait3A_50 = arith.constant 0 : i32
        %dma_wait3A_51 = tpu.memref_slice %arg12[%dma_wait3A_49, %dma_wait3A_50] : memref<10240x128xf32, #tpu.memory_space<vmem_shared>> -> memref<10240x128xf32, #tpu.memory_space<vmem_shared>>
        tpu.wait_indirect_dma semaphore(%run_scoped3A : memref<!tpu.dma_semaphore, #tpu.memory_space<semaphore_mem>>) src(%arg11 : memref<128x128xf32, #tpu.memory_space<vmem>>) dst(%dma_wait3A_51 : memref<10240x128xf32, #tpu.memory_space<vmem_shared>>)
        tpu.yield
      }) : () -> ()
      %add3A_39 = arith.constant 3 : i32
      %add3A_40 = arith.addi %add3A_29, %add3A_39 : i32
      %lt3A_41 = arith.constant 80 : i32
      %lt3A_42 = arith.cmpi slt, %add3A_40, %lt3A_41 : i32
      %convert_element_type3A_43 = arith.extui %lt3A_42 : i1 to i32
      %cond3A_44 = arith.constant 0 : i32
      %cond3A_45 = arith.cmpi ne, %convert_element_type3A_43, %cond3A_44 : i32
      scf.if %cond3A_45 {
        %add3A_46 = arith.constant 3 : i32
        %add3A_47 = arith.addi %add3A_29, %add3A_46 : i32
        %mul3A_48 = arith.constant 128 : i32
        %mul3A_49 = arith.muli %add3A_47, %mul3A_48 : i32
        %add3A_50 = arith.addi %add3A, %mul3A_49 : i32
        "tpu.region"() ({
          %run_scoped3A = tpu.sem_alloc : memref<!tpu.dma_semaphore, #tpu.memory_space<semaphore_mem>>
          %dma_start3A_59 = tpu.memref_slice %arg3[%add3A_50] : memref<327680xi32, #tpu.memory_space<hbm>> -> memref<128xi32, #tpu.memory_space<hbm>>
          %dma_start3A_60 = tpu.memref_slice %arg3[%add3A_50] : memref<327680xi32, #tpu.memory_space<hbm>> -> memref<128xi32, #tpu.memory_space<hbm>>
          tpu.enqueue_dma source(%dma_start3A_60 : memref<128xi32, #tpu.memory_space<hbm>>) target(%arg8 : memref<128xi32, #tpu.memory_space<vmem>>) target_semaphore(%run_scoped3A : memref<!tpu.dma_semaphore, #tpu.memory_space<semaphore_mem>>)
          %dma_wait3A_61 = tpu.memref_slice %arg3[%add3A_50] : memref<327680xi32, #tpu.memory_space<hbm>> -> memref<128xi32, #tpu.memory_space<hbm>>
          %dma_wait3A_62 = tpu.memref_slice %arg3[%add3A_50] : memref<327680xi32, #tpu.memory_space<hbm>> -> memref<128xi32, #tpu.memory_space<hbm>>
          tpu.wait_dma2 semaphore(%run_scoped3A : memref<!tpu.dma_semaphore, #tpu.memory_space<semaphore_mem>>) src(%dma_wait3A_62 : memref<128xi32, #tpu.memory_space<hbm>>) dst(%arg8 : memref<128xi32, #tpu.memory_space<vmem>>)
          tpu.yield
        }) : () -> ()
        %dma_start3A_51 = arith.constant 0 : i32
        %dma_start3A_52 = arith.constant 0 : i32
        %dma_start3A_53 = tpu.memref_slice %arg2[%dma_start3A_51, %dma_start3A_52] : memref<10240x128xf32, #tpu.memory_space<hbm>> -> memref<10240x128xf32, #tpu.memory_space<hbm>>
        tpu.enqueue_indirect_dma source(%dma_start3A_53 : memref<10240x128xf32, #tpu.memory_space<hbm>>) target(%arg11 : memref<128x128xf32, #tpu.memory_space<vmem>>) offsets(%arg8 : memref<128xi32, #tpu.memory_space<vmem>>) semaphore(%arg14 : memref<!tpu.dma_semaphore, #tpu.memory_space<semaphore_mem>>)
        %add3A_54 = arith.constant 3 : i32
        %add3A_55 = arith.addi %add3A_29, %add3A_54 : i32
        %mul3A_56 = arith.constant 128 : i32
        %mul3A_57 = arith.muli %add3A_55, %mul3A_56 : i32
        %add3A_58 = arith.addi %add3A, %mul3A_57 : i32
        "tpu.region"() ({
          %run_scoped3A = tpu.sem_alloc : memref<!tpu.dma_semaphore, #tpu.memory_space<semaphore_mem>>
          %dma_start3A_59 = tpu.memref_slice %arg4[%add3A_58] : memref<327680xi32, #tpu.memory_space<hbm>> -> memref<128xi32, #tpu.memory_space<hbm>>
          %dma_start3A_60 = tpu.memref_slice %arg4[%add3A_58] : memref<327680xi32, #tpu.memory_space<hbm>> -> memref<128xi32, #tpu.memory_space<hbm>>
          tpu.enqueue_dma source(%dma_start3A_60 : memref<128xi32, #tpu.memory_space<hbm>>) target(%arg9 : memref<128xi32, #tpu.memory_space<vmem>>) target_semaphore(%run_scoped3A : memref<!tpu.dma_semaphore, #tpu.memory_space<semaphore_mem>>)
          %dma_wait3A_61 = tpu.memref_slice %arg4[%add3A_58] : memref<327680xi32, #tpu.memory_space<hbm>> -> memref<128xi32, #tpu.memory_space<hbm>>
          %dma_wait3A_62 = tpu.memref_slice %arg4[%add3A_58] : memref<327680xi32, #tpu.memory_space<hbm>> -> memref<128xi32, #tpu.memory_space<hbm>>
          tpu.wait_dma2 semaphore(%run_scoped3A : memref<!tpu.dma_semaphore, #tpu.memory_space<semaphore_mem>>) src(%dma_wait3A_62 : memref<128xi32, #tpu.memory_space<hbm>>) dst(%arg9 : memref<128xi32, #tpu.memory_space<vmem>>)
          tpu.yield
        }) : () -> ()
      } else {
      }
    }
    %scan3A_19 = arith.constant 40 : i32
    %barrier3A_20 = arith.constant 0 : index
    tpu.barrier barrier_id(%barrier3A_20)
    %mul3A_21 = arith.constant 640 : i32
    %mul3A_22 = arith.muli %arg1, %mul3A_21 : i32
    %mul3A_23 = arith.constant 640 : i32
    %mul3A_24 = arith.muli %arg1, %mul3A_23 : i32
    "tpu.region"() ({
      %run_scoped3A = tpu.sem_alloc : memref<!tpu.dma_semaphore, #tpu.memory_space<semaphore_mem>>
      %dma_start3A_25 = arith.constant 0 : i32
      %dma_start3A_26 = tpu.memref_slice %arg5[%arg0, %mul3A_24, %dma_start3A_25] : memref<2x10240x128xf32, #tpu.memory_space<hbm>> -> memref<1x640x128xf32, #tpu.memory_space<hbm>>
      %dma_start3A_27 = tpu.memref_squeeze %dma_start3A_26 : memref<1x640x128xf32, #tpu.memory_space<hbm>> -> memref<640x128xf32, #tpu.memory_space<hbm>>
      %dma_start3A_28 = arith.constant 0 : i32
      %dma_start3A_29 = tpu.memref_slice %arg12[%mul3A_22, %dma_start3A_28] : memref<10240x128xf32, #tpu.memory_space<vmem_shared>> -> memref<640x128xf32, #tpu.memory_space<vmem_shared>>
      tpu.enqueue_dma source(%dma_start3A_29 : memref<640x128xf32, #tpu.memory_space<vmem_shared>>) target(%dma_start3A_27 : memref<640x128xf32, #tpu.memory_space<hbm>>) target_semaphore(%run_scoped3A : memref<!tpu.dma_semaphore, #tpu.memory_space<semaphore_mem>>)
      %dma_wait3A = arith.constant 0 : i32
      %dma_wait3A_30 = tpu.memref_slice %arg5[%arg0, %mul3A_24, %dma_wait3A] : memref<2x10240x128xf32, #tpu.memory_space<hbm>> -> memref<1x640x128xf32, #tpu.memory_space<hbm>>
      %dma_wait3A_31 = tpu.memref_squeeze %dma_wait3A_30 : memref<1x640x128xf32, #tpu.memory_space<hbm>> -> memref<640x128xf32, #tpu.memory_space<hbm>>
      %dma_wait3A_32 = arith.constant 0 : i32
      %dma_wait3A_33 = tpu.memref_slice %arg12[%mul3A_22, %dma_wait3A_32] : memref<10240x128xf32, #tpu.memory_space<vmem_shared>> -> memref<640x128xf32, #tpu.memory_space<vmem_shared>>
      tpu.wait_dma2 semaphore(%run_scoped3A : memref<!tpu.dma_semaphore, #tpu.memory_space<semaphore_mem>>) src(%dma_wait3A_33 : memref<640x128xf32, #tpu.memory_space<vmem_shared>>) dst(%dma_wait3A_31 : memref<640x128xf32, #tpu.memory_space<hbm>>)
      tpu.yield
    }) : () -> ()
    return
  }
}

#map = affine_map<(d0, d1) -> (0, 0, 0)>
#map1 = affine_map<(d0, d1) -> (0, 0)>
module attributes {stable_mosaic.version = 14 : i64} {
  func.func @_degree_kernel(%arg0: i32, %arg1: i32, %arg2: memref<2560x1x128xi32, #tpu.memory_space<hbm>>, %arg3: memref<2x10240xf32, #tpu.memory_space<hbm>>, %arg4: memref<80x1x128xi32, #tpu.memory_space<vmem>>, %arg5: memref<128xf32, #tpu.memory_space<vmem>>, %arg6: memref<640xf32, #tpu.memory_space<vmem>>, %arg7: memref<10240xf32, #tpu.memory_space<vmem_shared>>) attributes {dimension_semantics = [#tpu.dimension_semantics<core_parallel>, #tpu.dimension_semantics<subcore_parallel>], iteration_bounds = array<i64: 2, 16>, scalar_prefetch = 0 : i64, scratch_operands = 4 : i64, tpu.core_type = #tpu.core_type<sc_vector_subcore>, window_params = [{transform_indices = #map}, {transform_indices = #map1}]} {
    %scan3A = arith.constant 0 : i32
    %scan3A_0 = arith.constant 8 : i32
    %scan3A_1 = arith.addi %scan3A, %scan3A_0 : i32
    %scan3A_2 = arith.constant 1 : i32
    scf.for %scan3A_24 = %scan3A to %scan3A_1 step %scan3A_2  : i32 {
      %mul3A_25 = arith.constant 16 : i32
      %mul3A_26 = arith.muli %scan3A_24, %mul3A_25 : i32
      %add3A_27 = arith.constant 0 : i32
      %add3A_28 = arith.addi %add3A_27, %mul3A_26 : i32
      %broadcast_in_dim3A = arith.constant 1.000000e+00 : f32
      %broadcast_in_dim3A_29 = vector.broadcast %broadcast_in_dim3A : f32 to vector<16xf32>
      %swap3A = arith.index_cast %add3A_28 : i32 to index
      %swap3A_30 = tpu.vector_load %arg5[%swap3A] {strides = array<i32>} : memref<128xf32, #tpu.memory_space<vmem>>, vector<16xf32>,
      %swap3A_31 = vector.shape_cast %swap3A_30 : vector<16xf32> to vector<16xf32>
      %swap3A_32 = vector.shape_cast %broadcast_in_dim3A_29 : vector<16xf32> to vector<16xf32>
      tpu.vector_store %arg5[%swap3A], %swap3A_32 {strides = array<i32>} : memref<128xf32, #tpu.memory_space<vmem>>, vector<16xf32>,
    }
    %scan3A_3 = arith.constant 8 : i32
    %scan3A_4 = arith.constant 0 : i32
    %scan3A_5 = arith.constant 40 : i32
    %scan3A_6 = arith.addi %scan3A_4, %scan3A_5 : i32
    %scan3A_7 = arith.constant 1 : i32
    scf.for %scan3A_24 = %scan3A_4 to %scan3A_6 step %scan3A_7  : i32 {
      %mul3A_25 = arith.constant 16 : i32
      %mul3A_26 = arith.muli %scan3A_24, %mul3A_25 : i32
      %add3A_27 = arith.constant 0 : i32
      %add3A_28 = arith.addi %add3A_27, %mul3A_26 : i32
      %broadcast_in_dim3A = arith.constant 0.000000e+00 : f32
      %broadcast_in_dim3A_29 = vector.broadcast %broadcast_in_dim3A : f32 to vector<16xf32>
      %swap3A = arith.index_cast %add3A_28 : i32 to index
      %swap3A_30 = tpu.vector_load %arg6[%swap3A] {strides = array<i32>} : memref<640xf32, #tpu.memory_space<vmem>>, vector<16xf32>,
      %swap3A_31 = vector.shape_cast %swap3A_30 : vector<16xf32> to vector<16xf32>
      %swap3A_32 = vector.shape_cast %broadcast_in_dim3A_29 : vector<16xf32> to vector<16xf32>
      tpu.vector_store %arg6[%swap3A], %swap3A_32 {strides = array<i32>} : memref<640xf32, #tpu.memory_space<vmem>>, vector<16xf32>,
    }
    %scan3A_8 = arith.constant 40 : i32
    %mul3A = arith.constant 16 : i32
    %mul3A_9 = arith.muli %arg0, %mul3A : i32
    %add3A = arith.addi %mul3A_9, %arg1 : i32
    %mul3A_10 = arith.constant 80 : i32
    %mul3A_11 = arith.muli %add3A, %mul3A_10 : i32
    "tpu.region"() ({
      %run_scoped3A = tpu.sem_alloc : memref<!tpu.dma_semaphore, #tpu.memory_space<semaphore_mem>>
      %dma_start3A = arith.constant 0 : i32
      %dma_start3A_24 = arith.constant 0 : i32
      %dma_start3A_25 = tpu.memref_slice %arg2[%mul3A_11, %dma_start3A, %dma_start3A_24] : memref<2560x1x128xi32, #tpu.memory_space<hbm>> -> memref<80x1x128xi32, #tpu.memory_space<hbm>>
      %dma_start3A_26 = arith.constant 0 : i32
      %dma_start3A_27 = arith.constant 0 : i32
      %dma_start3A_28 = tpu.memref_slice %arg2[%mul3A_11, %dma_start3A_26, %dma_start3A_27] : memref<2560x1x128xi32, #tpu.memory_space<hbm>> -> memref<80x1x128xi32, #tpu.memory_space<hbm>>
      tpu.enqueue_dma source(%dma_start3A_28 : memref<80x1x128xi32, #tpu.memory_space<hbm>>) target(%arg4 : memref<80x1x128xi32, #tpu.memory_space<vmem>>) target_semaphore(%run_scoped3A : memref<!tpu.dma_semaphore, #tpu.memory_space<semaphore_mem>>)
      %dma_wait3A = arith.constant 0 : i32
      %dma_wait3A_29 = arith.constant 0 : i32
      %dma_wait3A_30 = tpu.memref_slice %arg2[%mul3A_11, %dma_wait3A, %dma_wait3A_29] : memref<2560x1x128xi32, #tpu.memory_space<hbm>> -> memref<80x1x128xi32, #tpu.memory_space<hbm>>
      %dma_wait3A_31 = arith.constant 0 : i32
      %dma_wait3A_32 = arith.constant 0 : i32
      %dma_wait3A_33 = tpu.memref_slice %arg2[%mul3A_11, %dma_wait3A_31, %dma_wait3A_32] : memref<2560x1x128xi32, #tpu.memory_space<hbm>> -> memref<80x1x128xi32, #tpu.memory_space<hbm>>
      tpu.wait_dma2 semaphore(%run_scoped3A : memref<!tpu.dma_semaphore, #tpu.memory_space<semaphore_mem>>) src(%dma_wait3A_33 : memref<80x1x128xi32, #tpu.memory_space<hbm>>) dst(%arg4 : memref<80x1x128xi32, #tpu.memory_space<vmem>>)
      tpu.yield
    }) : () -> ()
    %mul3A_12 = arith.constant 640 : i32
    %mul3A_13 = arith.muli %arg1, %mul3A_12 : i32
    "tpu.region"() ({
      %run_scoped3A = tpu.sem_alloc : memref<!tpu.dma_semaphore, #tpu.memory_space<semaphore_mem>>
      %dma_start3A = tpu.memref_slice %arg7[%mul3A_13] : memref<10240xf32, #tpu.memory_space<vmem_shared>> -> memref<640xf32, #tpu.memory_space<vmem_shared>>
      %dma_start3A_24 = tpu.memref_slice %arg7[%mul3A_13] : memref<10240xf32, #tpu.memory_space<vmem_shared>> -> memref<640xf32, #tpu.memory_space<vmem_shared>>
      tpu.enqueue_dma source(%arg6 : memref<640xf32, #tpu.memory_space<vmem>>) target(%dma_start3A_24 : memref<640xf32, #tpu.memory_space<vmem_shared>>) target_semaphore(%run_scoped3A : memref<!tpu.dma_semaphore, #tpu.memory_space<semaphore_mem>>)
      %dma_wait3A = tpu.memref_slice %arg7[%mul3A_13] : memref<10240xf32, #tpu.memory_space<vmem_shared>> -> memref<640xf32, #tpu.memory_space<vmem_shared>>
      %dma_wait3A_25 = tpu.memref_slice %arg7[%mul3A_13] : memref<10240xf32, #tpu.memory_space<vmem_shared>> -> memref<640xf32, #tpu.memory_space<vmem_shared>>
      tpu.wait_dma2 semaphore(%run_scoped3A : memref<!tpu.dma_semaphore, #tpu.memory_space<semaphore_mem>>) src(%arg6 : memref<640xf32, #tpu.memory_space<vmem>>) dst(%dma_wait3A_25 : memref<640xf32, #tpu.memory_space<vmem_shared>>)
      tpu.yield
    }) : () -> ()
    %barrier3A = arith.constant 0 : index
    tpu.barrier barrier_id(%barrier3A)
    %scan3A_14 = arith.constant 0 : i32
    %scan3A_15 = arith.constant 80 : i32
    %scan3A_16 = arith.addi %scan3A_14, %scan3A_15 : i32
    %scan3A_17 = arith.constant 1 : i32
    scf.for %scan3A_24 = %scan3A_14 to %scan3A_16 step %scan3A_17  : i32 {
      %mul3A_25 = arith.constant 1 : i32
      %mul3A_26 = arith.muli %scan3A_24, %mul3A_25 : i32
      %add3A_27 = arith.constant 0 : i32
      %add3A_28 = arith.addi %add3A_27, %mul3A_26 : i32
      %run_scoped3A = arith.constant 0 : i32
      "tpu.region"() ({
        %run_scoped3A_29 = tpu.sem_alloc : memref<!tpu.dma_semaphore, #tpu.memory_space<semaphore_mem>>
        %dma_start3A = arith.constant 0 : i32
        %dma_start3A_30 = tpu.memref_slice %arg4[%add3A_28, %run_scoped3A, %dma_start3A] : memref<80x1x128xi32, #tpu.memory_space<vmem>> -> memref<1x1x128xi32, #tpu.memory_space<vmem>>
        %dma_start3A_31 = tpu.memref_squeeze %dma_start3A_30 : memref<1x1x128xi32, #tpu.memory_space<vmem>> -> memref<128xi32, #tpu.memory_space<vmem>>
        %dma_start3A_32 = arith.constant 0 : i32
        %dma_start3A_33 = tpu.memref_slice %arg7[%dma_start3A_32] : memref<10240xf32, #tpu.memory_space<vmem_shared>> -> memref<10240xf32, #tpu.memory_space<vmem_shared>>
        tpu.enqueue_indirect_dma source(%arg5 : memref<128xf32, #tpu.memory_space<vmem>>) target(%dma_start3A_33 : memref<10240xf32, #tpu.memory_space<vmem_shared>>) offsets(%dma_start3A_31 : memref<128xi32, #tpu.memory_space<vmem>>) semaphore(%run_scoped3A_29 : memref<!tpu.dma_semaphore, #tpu.memory_space<semaphore_mem>>) {add = true}
        %dma_wait3A = arith.constant 0 : i32
        %dma_wait3A_34 = tpu.memref_slice %arg4[%add3A_28, %run_scoped3A, %dma_wait3A] : memref<80x1x128xi32, #tpu.memory_space<vmem>> -> memref<1x1x128xi32, #tpu.memory_space<vmem>>
        %dma_wait3A_35 = tpu.memref_squeeze %dma_wait3A_34 : memref<1x1x128xi32, #tpu.memory_space<vmem>> -> memref<128xi32, #tpu.memory_space<vmem>>
        %dma_wait3A_36 = arith.constant 0 : i32
        %dma_wait3A_37 = tpu.memref_slice %arg7[%dma_wait3A_36] : memref<10240xf32, #tpu.memory_space<vmem_shared>> -> memref<10240xf32, #tpu.memory_space<vmem_shared>>
        tpu.wait_indirect_dma semaphore(%run_scoped3A_29 : memref<!tpu.dma_semaphore, #tpu.memory_space<semaphore_mem>>) src(%arg5 : memref<128xf32, #tpu.memory_space<vmem>>) dst(%dma_wait3A_37 : memref<10240xf32, #tpu.memory_space<vmem_shared>>)
        tpu.yield
      }) : () -> ()
    }
    %scan3A_18 = arith.constant 80 : i32
    %barrier3A_19 = arith.constant 0 : index
    tpu.barrier barrier_id(%barrier3A_19)
    %mul3A_20 = arith.constant 640 : i32
    %mul3A_21 = arith.muli %arg1, %mul3A_20 : i32
    %mul3A_22 = arith.constant 640 : i32
    %mul3A_23 = arith.muli %arg1, %mul3A_22 : i32
    "tpu.region"() ({
      %run_scoped3A = tpu.sem_alloc : memref<!tpu.dma_semaphore, #tpu.memory_space<semaphore_mem>>
      %dma_start3A = tpu.memref_slice %arg3[%arg0, %mul3A_23] : memref<2x10240xf32, #tpu.memory_space<hbm>> -> memref<1x640xf32, #tpu.memory_space<hbm>>
      %dma_start3A_24 = tpu.memref_squeeze %dma_start3A : memref<1x640xf32, #tpu.memory_space<hbm>> -> memref<640xf32, #tpu.memory_space<hbm>>
      %dma_start3A_25 = tpu.memref_slice %arg7[%mul3A_21] : memref<10240xf32, #tpu.memory_space<vmem_shared>> -> memref<640xf32, #tpu.memory_space<vmem_shared>>
      tpu.enqueue_dma source(%dma_start3A_25 : memref<640xf32, #tpu.memory_space<vmem_shared>>) target(%dma_start3A_24 : memref<640xf32, #tpu.memory_space<hbm>>) target_semaphore(%run_scoped3A : memref<!tpu.dma_semaphore, #tpu.memory_space<semaphore_mem>>)
      %dma_wait3A = tpu.memref_slice %arg3[%arg0, %mul3A_23] : memref<2x10240xf32, #tpu.memory_space<hbm>> -> memref<1x640xf32, #tpu.memory_space<hbm>>
      %dma_wait3A_26 = tpu.memref_squeeze %dma_wait3A : memref<1x640xf32, #tpu.memory_space<hbm>> -> memref<640xf32, #tpu.memory_space<hbm>>
      %dma_wait3A_27 = tpu.memref_slice %arg7[%mul3A_21] : memref<10240xf32, #tpu.memory_space<vmem_shared>> -> memref<640xf32, #tpu.memory_space<vmem_shared>>
      tpu.wait_dma2 semaphore(%run_scoped3A : memref<!tpu.dma_semaphore, #tpu.memory_space<semaphore_mem>>) src(%dma_wait3A_27 : memref<640xf32, #tpu.memory_space<vmem_shared>>) dst(%dma_wait3A_26 : memref<640xf32, #tpu.memory_space<hbm>>)
      tpu.yield
    }) : () -> ()
    return
  }
}

module attributes {stable_mosaic.version = 14 : i64} {
  func.func @_matmul_body(%arg0: i32, %arg1: memref<1280x128xf32, #tpu.memory_space<vmem>>, %arg2: memref<128x128xf32, #tpu.memory_space<vmem>>, %arg3: memref<1280x128xf32, #tpu.memory_space<vmem>>) attributes {dimension_semantics = [#tpu.dimension_semantics<arbitrary>], iteration_bounds = array<i64: 8>, scalar_prefetch = 0 : i64, scratch_operands = 0 : i64, tpu.core_type = #tpu.core_type<tc>, window_params = [{transform_indices = @transform_0, window_bounds = array<i64: 1280, 128>}, {pipeline_mode = #tpu.pipeline_mode<synchronous>, transform_indices = @transform_1, window_bounds = array<i64: 128, 128>}, {transform_indices = @transform_2, window_bounds = array<i64: 1280, 128>}]} {
    %get3A = arith.constant 0 : index
    %get3A_0 = arith.constant 0 : index
    %get3A_1 = vector.load %arg1[%get3A, %get3A_0] : memref<1280x128xf32, #tpu.memory_space<vmem>>, vector<1280x128xf32>
    %get3A_2 = arith.constant 0 : index
    %get3A_3 = arith.constant 0 : index
    %get3A_4 = vector.load %arg2[%get3A_2, %get3A_3] : memref<128x128xf32, #tpu.memory_space<vmem>>, vector<128x128xf32>
    %dot_general3A = arith.constant dense<0.000000e+00> : vector<1280x128xf32>
    %dot_general3A_5 = tpu.matmul %get3A_1, %get3A_4, %dot_general3A {dimension_numbers = #tpu.dot_dimension_numbers<[1], [1], [0], [0], [0, 0, 1, 0], [], []>, precision = #tpu.contract_precision<fp32>, transpose_lhs_hint = false} : vector<1280x128xf32>, vector<128x128xf32>, vector<1280x128xf32> -> vector<1280x128xf32>
    %swap3A = arith.constant 0 : index
    %swap3A_6 = arith.constant 0 : index
    %swap3A_7 = vector.load %arg3[%swap3A, %swap3A_6] : memref<1280x128xf32, #tpu.memory_space<vmem>>, vector<1280x128xf32>
    tpu.vector_store %arg3[%swap3A, %swap3A_6], %dot_general3A_5 {strides = array<i32>} : memref<1280x128xf32, #tpu.memory_space<vmem>>, vector<1280x128xf32>,
    return
  }
  func.func @transform_0(%arg0: i32) -> (i32, i32) {
    %c0_i32 = arith.constant 0 : i32
    %c0_i32_0 = arith.constant 0 : i32
    return %arg0, %c0_i32 : i32, i32
  }
  func.func @transform_1(%arg0: i32) -> (i32, i32) {
    %c0_i32 = arith.constant 0 : i32
    %c0_i32_0 = arith.constant 0 : i32
    %c0_i32_1 = arith.constant 0 : i32
    return %c0_i32, %c0_i32_0 : i32, i32
  }
  func.func @transform_2(%arg0: i32) -> (i32, i32) {
    %c0_i32 = arith.constant 0 : i32
    %c0_i32_0 = arith.constant 0 : i32
    return %arg0, %c0_i32 : i32, i32
  }
}

module attributes {stable_mosaic.version = 14 : i64} {
  func.func @_scale_body(%arg0: i32, %arg1: memref<2x1280xf32, #tpu.memory_space<vmem>>, %arg2: memref<1280x128xf32, #tpu.memory_space<vmem>>, %arg3: memref<1280x128xf32, #tpu.memory_space<vmem>>) attributes {dimension_semantics = [#tpu.dimension_semantics<arbitrary>], iteration_bounds = array<i64: 8>, scalar_prefetch = 0 : i64, scratch_operands = 0 : i64, tpu.core_type = #tpu.core_type<tc>, window_params = [{transform_indices = @transform_0, window_bounds = array<i64: 2, 1280>}, {transform_indices = @transform_1, window_bounds = array<i64: 1280, 128>}, {transform_indices = @transform_2, window_bounds = array<i64: 1280, 128>}]} {
    %get3A = arith.constant 0 : index
    %get3A_0 = arith.constant 0 : index
    %get3A_1 = vector.load %arg1[%get3A, %get3A_0] : memref<2x1280xf32, #tpu.memory_space<vmem>>, vector<1x1280xf32>
    %get3A_2 = vector.shape_cast %get3A_1 : vector<1x1280xf32> to vector<1280xf32>
    %get3A_3 = arith.constant 1 : index
    %get3A_4 = arith.constant 0 : index
    %get3A_5 = vector.load %arg1[%get3A_3, %get3A_4] : memref<2x1280xf32, #tpu.memory_space<vmem>>, vector<1x1280xf32>
    %get3A_6 = vector.shape_cast %get3A_5 : vector<1x1280xf32> to vector<1280xf32>
    %add3A = arith.addf %get3A_2, %get3A_6 : vector<1280xf32>
    %add3A_7 = arith.constant 1.000000e+00 : f32
    %add3A_8 = vector.broadcast %add3A_7 : f32 to vector<1280xf32>
    %add3A_9 = arith.addf %add3A, %add3A_8 : vector<1280xf32>
    %rsqrt3A = math.rsqrt %add3A_9 : vector<1280xf32>
    %get3A_10 = arith.constant 0 : index
    %get3A_11 = arith.constant 0 : index
    %get3A_12 = vector.load %arg2[%get3A_10, %get3A_11] : memref<1280x128xf32, #tpu.memory_space<vmem>>, vector<1280x128xf32>
    %broadcast_in_dim3A = vector.shape_cast %rsqrt3A : vector<1280xf32> to vector<1280x1xf32>
    %mul3A = vector.broadcast %broadcast_in_dim3A : vector<1280x1xf32> to vector<1280x128xf32>
    %mul3A_13 = arith.mulf %get3A_12, %mul3A : vector<1280x128xf32>
    %swap3A = arith.constant 0 : index
    %swap3A_14 = arith.constant 0 : index
    %swap3A_15 = vector.load %arg3[%swap3A, %swap3A_14] : memref<1280x128xf32, #tpu.memory_space<vmem>>, vector<1280x128xf32>
    tpu.vector_store %arg3[%swap3A, %swap3A_14], %mul3A_13 {strides = array<i32>} : memref<1280x128xf32, #tpu.memory_space<vmem>>, vector<1280x128xf32>,
    return
  }
  func.func @transform_0(%arg0: i32) -> (i32, i32) {
    %c0_i32 = arith.constant 0 : i32
    %c0_i32_0 = arith.constant 0 : i32
    return %c0_i32, %arg0 : i32, i32
  }
  func.func @transform_1(%arg0: i32) -> (i32, i32) {
    %c0_i32 = arith.constant 0 : i32
    %c0_i32_0 = arith.constant 0 : i32
    return %arg0, %c0_i32 : i32, i32
  }
  func.func @transform_2(%arg0: i32) -> (i32, i32) {
    %c0_i32 = arith.constant 0 : i32
    %c0_i32_0 = arith.constant 0 : i32
    return %arg0, %c0_i32 : i32, i32
  }
}

module attributes {stable_mosaic.version = 14 : i64} {
  func.func @_final_body(%arg0: i32, %arg1: memref<2x1280x128xf32, #tpu.memory_space<vmem>>, %arg2: memref<1280x128xf32, #tpu.memory_space<vmem>>, %arg3: memref<2x1280xf32, #tpu.memory_space<vmem>>, %arg4: memref<128xf32, #tpu.memory_space<vmem>>, %arg5: memref<1280x128xf32, #tpu.memory_space<vmem>>) attributes {dimension_semantics = [#tpu.dimension_semantics<arbitrary>], iteration_bounds = array<i64: 8>, scalar_prefetch = 0 : i64, scratch_operands = 0 : i64, tpu.core_type = #tpu.core_type<tc>, window_params = [{transform_indices = @transform_0, window_bounds = array<i64: 2, 1280, 128>}, {transform_indices = @transform_1, window_bounds = array<i64: 1280, 128>}, {transform_indices = @transform_2, window_bounds = array<i64: 2, 1280>}, {pipeline_mode = #tpu.pipeline_mode<synchronous>, transform_indices = @transform_3, window_bounds = array<i64: 128>}, {transform_indices = @transform_4, window_bounds = array<i64: 1280, 128>}]} {
    %get3A = arith.constant 0 : index
    %get3A_0 = arith.constant 0 : index
    %get3A_1 = vector.load %arg3[%get3A, %get3A_0] : memref<2x1280xf32, #tpu.memory_space<vmem>>, vector<1x1280xf32>
    %get3A_2 = vector.shape_cast %get3A_1 : vector<1x1280xf32> to vector<1280xf32>
    %get3A_3 = arith.constant 1 : index
    %get3A_4 = arith.constant 0 : index
    %get3A_5 = vector.load %arg3[%get3A_3, %get3A_4] : memref<2x1280xf32, #tpu.memory_space<vmem>>, vector<1x1280xf32>
    %get3A_6 = vector.shape_cast %get3A_5 : vector<1x1280xf32> to vector<1280xf32>
    %add3A = arith.addf %get3A_2, %get3A_6 : vector<1280xf32>
    %add3A_7 = arith.constant 1.000000e+00 : f32
    %add3A_8 = vector.broadcast %add3A_7 : f32 to vector<1280xf32>
    %add3A_9 = arith.addf %add3A, %add3A_8 : vector<1280xf32>
    %rsqrt3A = math.rsqrt %add3A_9 : vector<1280xf32>
    %get3A_10 = arith.constant 0 : index
    %get3A_11 = arith.constant 0 : index
    %get3A_12 = arith.constant 0 : index
    %get3A_13 = vector.load %arg1[%get3A_10, %get3A_11, %get3A_12] : memref<2x1280x128xf32, #tpu.memory_space<vmem>>, vector<1x1280x128xf32>
    %get3A_14 = vector.shape_cast %get3A_13 : vector<1x1280x128xf32> to vector<1280x128xf32>
    %get3A_15 = arith.constant 1 : index
    %get3A_16 = arith.constant 0 : index
    %get3A_17 = arith.constant 0 : index
    %get3A_18 = vector.load %arg1[%get3A_15, %get3A_16, %get3A_17] : memref<2x1280x128xf32, #tpu.memory_space<vmem>>, vector<1x1280x128xf32>
    %get3A_19 = vector.shape_cast %get3A_18 : vector<1x1280x128xf32> to vector<1280x128xf32>
    %add3A_20 = arith.addf %get3A_14, %get3A_19 : vector<1280x128xf32>
    %get3A_21 = arith.constant 0 : index
    %get3A_22 = arith.constant 0 : index
    %get3A_23 = vector.load %arg2[%get3A_21, %get3A_22] : memref<1280x128xf32, #tpu.memory_space<vmem>>, vector<1280x128xf32>
    %sub3A = arith.subf %add3A_20, %get3A_23 : vector<1280x128xf32>
    %broadcast_in_dim3A = vector.shape_cast %rsqrt3A : vector<1280xf32> to vector<1280x1xf32>
    %mul3A = vector.broadcast %broadcast_in_dim3A : vector<1280x1xf32> to vector<1280x128xf32>
    %mul3A_24 = arith.mulf %sub3A, %mul3A : vector<1280x128xf32>
    %get3A_25 = arith.constant 0 : index
    %get3A_26 = vector.load %arg4[%get3A_25] : memref<128xf32, #tpu.memory_space<vmem>>, vector<128xf32>
    %broadcast_in_dim3A_27 = vector.shape_cast %get3A_26 : vector<128xf32> to vector<1x128xf32>
    %add3A_28 = vector.broadcast %broadcast_in_dim3A_27 : vector<1x128xf32> to vector<1280x128xf32>
    %add3A_29 = arith.addf %mul3A_24, %add3A_28 : vector<1280x128xf32>
    %swap3A = arith.constant 0 : index
    %swap3A_30 = arith.constant 0 : index
    %swap3A_31 = vector.load %arg5[%swap3A, %swap3A_30] : memref<1280x128xf32, #tpu.memory_space<vmem>>, vector<1280x128xf32>
    tpu.vector_store %arg5[%swap3A, %swap3A_30], %add3A_29 {strides = array<i32>} : memref<1280x128xf32, #tpu.memory_space<vmem>>, vector<1280x128xf32>,
    return
  }
  func.func @transform_0(%arg0: i32) -> (i32, i32, i32) {
    %c0_i32 = arith.constant 0 : i32
    %c0_i32_0 = arith.constant 0 : i32
    %c0_i32_1 = arith.constant 0 : i32
    return %c0_i32, %arg0, %c0_i32_0 : i32, i32, i32
  }
  func.func @transform_1(%arg0: i32) -> (i32, i32) {
    %c0_i32 = arith.constant 0 : i32
    %c0_i32_0 = arith.constant 0 : i32
    return %arg0, %c0_i32 : i32, i32
  }
  func.func @transform_2(%arg0: i32) -> (i32, i32) {
    %c0_i32 = arith.constant 0 : i32
    %c0_i32_0 = arith.constant 0 : i32
    return %c0_i32, %arg0 : i32, i32
  }
  func.func @transform_3(%arg0: i32) -> i32 {
    %c0_i32 = arith.constant 0 : i32
    %c0_i32_0 = arith.constant 0 : i32
    return %c0_i32 : i32
  }
  func.func @transform_4(%arg0: i32) -> (i32, i32) {
    %c0_i32 = arith.constant 0 : i32
    %c0_i32_0 = arith.constant 0 : i32
    return %arg0, %c0_i32 : i32, i32
  }
}

</mosaic_0001>

<sc_bundles>
// kernel: kernel.10.cloned.1.call-start
scs
__scs_entry_jumppad:
0x0: {  	(pc) =	sbr.rel $0x88, $3  }
0x1: {  	(tag) =	ssettag $0x0;
	lr =	simm.s32 $0x1  }
0x2: {  	[smem:$0x3F9D] =	sst lr;
	_ =	strace $0xD0000000  }
0x3: {  	_ = 	snop  }
0x4: {  	_ = 	snop  }
0x5: {  	_ = 	snop  }
0x6: {  	_ = 	snop  }
0x7: {  	_ = 	snop  }
__scs_overlays_trampoline_lowered:
0x8: {  	[smem:$0x3FAC] =	sst s0  }
0x9: {  	[smem:$0x3FAD] =	sst s1  }
0xa: {  	[smem:$0x3FAE] =	sst s2  }
0xb: {  	[smem:$0x3FAF] =	sst s3  }
0xc: {  	[smem:$0x3FB0] =	sst s4  }
0xd: {  	[smem:$0x3FB1] =	sst s5  }
0xe: {  	[smem:$0x3FB2] =	sst s6  }
0xf: {  	[smem:$0x3FB3] =	sst s7  }
0x10: {  	[smem:$0x3FB4] =	sst s8  }
0x11: {  	[smem:$0x3FB5] =	sst s9;
	s0 =	simm.s32 @!p0 $0x0  }
0x12: {  	s1 =	sld [smem:$0x3F9B];
	s0 =	simm.s32 @p0 $0x1  }
0x13: {  	[smem:$0x3FB6] =	sst s0;
	s0 =	simm.s32 @!p1 $0x0  }
0x14: {  	s2 =	sld [smem:$0x3F9A];
	s0 =	simm.s32 @p1 $0x1  }
0x15: {  	[smem:$0x3FB7] =	sst s0;
	s0 =	simm.s32 @!p2 $0x0  }
0x16: {  	s3 =	sld [smem:$0x3FDB];
	s0 =	simm.s32 @p2 $0x1  }
0x17: {  	s4 =	simm.s32 $0x1BF5;
	[smem:$0x3FB9] =	sst s0  }
0x18: {  	s0 =	sld [smem:$0x3F9C];
	_ =	swait.ge [sflag:s4], $0x0  }
0x19: {  	s7 =	sld [smem:$0x3F9D]  }
0x1a: {  	s8 =	sadd.s32 $0xFFFFE003, lr  }
0x1b: {  	s9 =	sadd.s32 $0xFFFFFEF7, lr;
	s5 =	simm.s32 $0xFFFFFFFF;
	p2 =	slt.u32 s8, $0xFFFFF086  }
0x1c: {  	p1 =	slt.u32 s9, $0xF7A;
	s5 =	simm.s32 @!p2 $0x0  }
0x1d: {  	s5 =	simm.s32 @p1 $0x1;
	p0 =	seq.s32 s7, s2  }
0x1e: {  	s7 =	smul.u32 @!p0 $0xF7A, s2;
	p2 =	seq.s32 @!p0 s5, $0x0  }
0x1f: {  	s9 =	smul.u32 $0xF7A, s1;
	s8 =	simm.s32 @!p0 $0x1BF5;
	p2 =	por !p2, p0  }
0x20: {  	[sflag:s8] =	ssyncset.s32 @!p0 $0xFFFFF086;
	s6 =	sadd.s32 @!p0 s3, s7;
	s7 =	simm.s32 @!p0 $0x108  }
0x21: {  	s3 =	sadd.s32 s3, s9;
	s6 =	sadd.s32 @!p0 $0x88, s6;
	s7 =	simm.s32 @p2 $0x1082  }
0x22: {  	[simem:s7], [sflag:s8] =	dma.local @!p0 [hbm:s6], $0xF7A  }
0x23: {  	s9 =	sor.u32 $0xD0000000, s2;
	s6 =	simm.s32 $0x108;
	_ =	swait.ge @!p0 [sflag:s8], $0x0  }
0x24: {  	s3 =	sadd.s32 $0x88, s3;
	s6 =	simm.s32 @!p1 $0x1082;
	[sflag:s4] =	ssyncset.s32 $0xFFFFF086  }
0x25: {  	[simem:s6], [sflag:s4] =	dma.local [hbm:s3], $0xF7A  }
0x26: {  	[smem:$0x3F9D] =	sst s1;
	(tag) =	ssettag s2;
	_ =	strace s9  }
0x27: {  	s1 =	sld [smem:$0x3FAD]  }
0x28: {  	s2 =	sld [smem:$0x3FAE]  }
0x29: {  	s4 =	sld [smem:$0x3FB0]  }
0x2a: {  	p0 =	seq.s32 s5, $0x0;
	s5 =	sld [smem:$0x3FB1]  }
0x2b: {  	s6 =	sld [smem:$0x3FB2]  }
0x2c: {  	s7 =	sld [smem:$0x3FB3]  }
0x2d: {  	s3 =	simm.s32 $0x108;
	s8 =	sld [smem:$0x3FB4]  }
0x2e: {  	s3 =	simm.s32 @!p0 $0x1082;
	s9 =	sld [smem:$0x3FB5]  }
0x2f: {  	lr =	sadd.s32 s0, s3;
	s0 =	sld [smem:$0x3FAC]  }
0x30: {  	s3 =	sld [smem:$0x3FAF]  }
0x31: {  	[smem:$0x3FB8] =	sst s10  }
0x32: {  	s10 =	sld [smem:$0x3FB6];
	_ =	sdelay $0x3  }
0x33: {  	p0 =	seq.s32 s10, $0x1;
	s10 =	sld [smem:$0x3FB8];
	_ =	sdelay $0x3  }
0x34: {  	[smem:$0x3FB8] =	sst s10  }
0x35: {  	s10 =	sld [smem:$0x3FB7];
	_ =	sdelay $0x3  }
0x36: {  	p1 =	seq.s32 s10, $0x1;
	s10 =	sld [smem:$0x3FB8];
	_ =	sdelay $0x3  }
0x37: {  	[smem:$0x3FB8] =	sst s10  }
0x38: {  	s10 =	sld [smem:$0x3FB9]  }
0x39: {  	_ = 	snop;
	(pc) =	sbr.ind lr, $3  }
0x3a: {  	_ = 	snop  }
0x3b: {  	_ = 	snop  }
0x3c: {  	p2 =	seq.s32 s10, $0x1;
	s10 =	sld [smem:$0x3FB8]  }
0x3d: {  	_ =	shalt  }
0x3e: {  	_ =	shalt  }
0x3f: {  	_ =	shalt  }
0x40: {  	_ =	shalt  }
0x41: {  	_ =	shalt  }
0x42: {  	_ =	shalt  }
0x43: {  	_ =	shalt  }
0x44: {  	_ =	shalt  }
0x45: {  	_ =	shalt  }
0x46: {  	_ =	shalt  }
0x47: {  	_ =	shalt  }
0x48: {  	_ =	shalt  }
0x49: {  	_ =	shalt  }
0x4a: {  	_ =	shalt  }
0x4b: {  	_ =	shalt  }
0x4c: {  	_ =	shalt  }
0x4d: {  	_ =	shalt  }
0x4e: {  	_ =	shalt  }
0x4f: {  	_ =	shalt  }
0x50: {  	_ =	shalt  }
0x51: {  	_ =	shalt  }
0x52: {  	_ =	shalt  }
0x53: {  	_ =	shalt  }
0x54: {  	_ =	shalt  }
0x55: {  	_ =	shalt  }
0x56: {  	_ =	shalt  }
0x57: {  	_ =	shalt  }
0x58: {  	_ =	shalt  }
0x59: {  	_ =	shalt  }
0x5a: {  	_ =	shalt  }
0x5b: {  	_ =	shalt  }
0x5c: {  	_ =	shalt  }
0x5d: {  	_ =	shalt  }
0x5e: {  	_ =	shalt  }
0x5f: {  	_ =	shalt  }
0x60: {  	_ =	shalt  }
0x61: {  	_ =	shalt  }
0x62: {  	_ =	shalt  }
0x63: {  	_ =	shalt  }
0x64: {  	_ =	shalt  }
0x65: {  	_ =	shalt  }
0x66: {  	_ =	shalt  }
0x67: {  	_ =	shalt  }
0x68: {  	_ =	shalt  }
0x69: {  	_ =	shalt  }
0x6a: {  	_ =	shalt  }
0x6b: {  	_ =	shalt  }
0x6c: {  	_ =	shalt  }
0x6d: {  	_ =	shalt  }
0x6e: {  	_ =	shalt  }
0x6f: {  	_ =	shalt  }
0x70: {  	_ =	shalt  }
0x71: {  	_ =	shalt  }
0x72: {  	_ =	shalt  }
0x73: {  	_ =	shalt  }
0x74: {  	_ =	shalt  }
0x75: {  	_ =	shalt  }
0x76: {  	_ =	shalt  }
0x77: {  	_ =	shalt  }
0x78: {  	_ =	shalt  }
0x79: {  	_ =	shalt  }
0x7a: {  	_ =	shalt  }
0x7b: {  	_ =	shalt  }
0x7c: {  	_ =	shalt  }
0x7d: {  	_ =	shalt  }
0x7e: {  	_ =	shalt  }
0x7f: {  	_ =	shalt  }
0x80: {  	_ =	shalt  }
0x81: {  	_ =	shalt  }
0x82: {  	_ =	shalt  }
0x83: {  	_ =	shalt  }
0x84: {  	_ =	shalt  }
0x85: {  	_ =	shalt  }
0x86: {  	_ =	shalt  }
0x87: {  	_ =	shalt  }
.Lfunc_end0:
.L_simem_size_0:
called_computation.1_lowered:
.L_overlay_start_0:
0x88: {  	s2 =	sld [smem:$0x3FD9]  }
0x89: {  	s3 =	sld [smem:$0x3FFE];
	_ =	sdelay $0x1  }
0x8a: {  	s1 =	srdreg.scid  }
0x8b: {  	s0 =	sand.u32 $0x1, s1  }
0x8c: {  	s17 =	sshll.u32 s0, $0xA;
	s2 =	sadd.s32 s3, s2  }
0x8d: {  	s2 =	sadd.s32 s2, s17  }
0x8e: {  	[smem:$0x3FC4] =	sst s2  }
0x8f: {  	_ = 	snop  }
0x90: {  	s2 =	sld [smem:$0x3FD0];
	(tm) =	ssettm $0x1  }
0x91: {  	s18 =	sld [smem:$0x3FFB];
	_ =	sdelay $0x3  }
0x92: {  	_ =	strace s18  }
0x93: {  	s3 =	sld [smem:$0x3FFC];
	_ =	sdelay $0x3  }
0x94: {  	_ =	strace s3  }
0x95: {  	s3 =	sld [smem:$0x3FFD];
	_ =	sdelay $0x3  }
0x96: {  	_ =	strace s3  }
0x97: {  	_ =	strace $0x8FFFFFFF  }
0x98: {  	s19 =	sld [smem:$0x3FDB];
	_ =	sdelay $0x1  }
0x99: {  	s4 =	simm.s32 $_scs_section_size  }
0x9a: {  	s5 =	simm.s32 $_size__tile_overlayer_lowered;
	s6 =	simm.s32 $_tile_overlayer_lowered  }
0x9b: {  	s22 =	simm.s32 $0x1BFF;
	s21 =	sshll.u32 s6, $0x1;
	s3 =	sadd.s32 s4, s19  }
0x9c: {  	s7 =	simm.s32 $0x0;
	s20 =	sshll.u32 s5, $0x1;
	s5 =	sadd.s32 s21, s3  }
0x9d: {  	[timem:s7], [sflag:s22] =	dma.local [hbm:s5], s20  }
0x9e: {  	_ =	swait.ge [sflag:s22], s20  }
0x9f: {  	s4 =	ssub.s32 $0x0, s20;
	[sflag:s22] =	ssyncset.done $0x0  }
0xa0: {  	[sflag:s22] =	ssyncadd.s32 s4;
	_ =	sdelay $0x1  }
0xa1: {  	s23 =	simm.s32 $0x1B8B  }
0xa2: {  	_ =	swait.ge [sflag:s23], $0x1  }
0xa3: {  	[sflag:s23] =	ssyncset.done $0x0  }
0xa4: {  	s25 =	simm.s32 $0x1B8E;
	s24 =	sld [smem:$0x3FFE];
	[sflag:s23] =	ssyncadd.s32 $0xFFFFFFFF  }
0xa5: {  	s26 =	simm.s32 $execute0_lowered;
	[smem:$0x3FD2] =	sst s25  }
0xa6: {  	s5 =	sshll.u32 s26, $0x1;
	_ =	strace $0x80000049;
	[dreg:$0x1] =	wrdreg $0xFFFFFFFF  }
0xa7: {  	s28 =	simm.s32 $_size_execute0_lowered;
	s3 =	sadd.s32 s3, s5;
	[dreg:$0x0] =	wrdreg $0x0  }
0xa8: {  	s5 =	sshll.u32 s28, $0x1;
	[dreg:$0x2] =	wrdreg s3  }
0xa9: {  	[dreg:$0x3] =	wrdreg s5  }
0xaa: {  	[dreg:$0x4] =	wrdreg $0xC0  }
0xab: {  	_ =	task [dreg:s7], $0x5FFFF  }
0xac: {  	[dreg:$0x1] =	wrdreg $0xFFFFFFFF  }
0xad: {  	[dreg:$0x0] =	wrdreg $0x60  }
0xae: {  	[dreg:$0x2] =	wrdreg s24  }
0xaf: {  	[dreg:$0x3] =	wrdreg s2  }
0xb0: {  	[dreg:$0x4] =	wrdreg $0x82000  }
0xb1: {  	[dreg:$0x5] =	wrdreg $0x9  }
0xb2: {  	_ =	task.clear_ibuf [dreg:s7], $0x6FFFF;
	_ =	strace $0x90000049  }
0xb3: {  	s29 =	simm.s32 $0x9;
	_ =	strace $0x8000004B  }
0xb4: {  	_ =	swait.ge [sflag:s29], $0x1  }
0xb5: {  	[sflag:s29] =	ssyncadd.s32 $0xFFFFFFFF  }
0xb6: {  	_ =	strace $0x9000004B  }
0xb7: {  	_ =	sfence  }
0xb8: {  	s30 =	sld [smem:$0x0];
	_ =	sdelay $0x2  }
0xb9: {  	s31 =	sshll.u32 s1, $0xD;
	s1 =	sshrl.u32 s1, $0x2  }
0xba: {  	s3 =	sand.u32 $0x4000, s31;
	s1 =	sadd.s32 s1, s30  }
0xbb: {  	s0 =	sor.u32 s3, s0;
	s1 =	sshll.u32 s1, $0x11  }
0xbc: {  	s0 =	sor.u32 s1, s0  }
0xbd: {  	s0 =	sadd.s32 $0x8F2B, s0  }
0xbe: {  	[sflag:s0] =	ssyncadd.remote.s32 $0x1  }
0xbf: {  	_ =	sfence.sel $0xFFFF  }
0xc0: {  	[dreg:$0x0] =	wrdreg $0xFFFFFFFF;
	(pc) =	sbr.abs _section_cstart, $3  }
0xc1: {  	[dreg:$0x1] =	wrdreg $0xFFFFFFFF  }
0xc2: {  	_ =	task.clear_ibuf [dreg:s7], $0x2FFFF;
	_ =	strace $0x9FFFFFFF  }
0xc3: {  	(tm) =	ssettm $0x7FFFFFFF  }
tec
execute0_lowered:
.L_overlay_start_1:
0x0: {  	(tag) =	ssettag $0x1  }
0x1: {  	s5 =	rddreg [dreg:$0x0]  }
0x2: {  	s15 =	rddreg [dreg:$0x1]  }
0x3: {  	s2 =	rddreg [dreg:$0x2]  }
0x4: {  	s0 =	rddreg [dreg:$0x3];
	s3 =	simm.s32 $0x0;
	s4 =	srdreg.scid  }
0x5: {  	s1 =	stileid.u32;
	s19 =	simm.s32 $0x80;
	s20 =	simm.s32 $0x200  }
0x6: {  	s21 =	simm.s32 $0x100;
	s22 =	simm.s32 $0x180;
	s7 =	smul.u32 $0x14000, s1  }
0x7: {  	s28 =	simm.s32 $0x0;
	[smem:$0x7FF] =	sst s3;
	s9 =	smul.u32 $0x50000, s1  }
0x8: {  	s6 =	sand.u32 $0x1, s4;
	s4 =	sadd.s32 $0xBE00, s5;
	s12 =	smul.u32 $0x2800, s1  }
0x9: {  	s16 =	sadd.s32 $0x1E00, s5;
	s25 =	sshll.u32 s1, $0x6;
	s8 =	smul.u32 $0x140000, s6  }
0xa: {  	_ =	strace $0x8000004A;
	s10 =	ssub.s32 $0x2, s6;
	s6 =	smul.u32 $0x28000, s6  }
0xb: {  	s11 =	sshrl.u32 s10, $0x1;
	s23 =	sshrl.u32 s9, $0x2;
	s24 =	sshrl.u32 s7, $0x3  }
0xc: {  	s8 =	sadd.s32 s7, s8;
	s14 =	ssub.s32 s10, s11;
	s17 =	sadd.s32 s23, s2  }
0xd: {  	s12 =	sadd.s32 s12, s6;
	s6 =	sor.u32 $0x1C03, s25;
	s23 =	simm.s32 $0x4200  }
0xe: {  	s25 =	simm.s32 $0x4;
	s8 =	sshrl.u32 s8, $0x3;
	s26 =	sshrl.u32 s12, $0x3  }
0xf: {  	s30 =	sor.u32 $0x180, s12;
	s18 =	sor.u32 $0x100, s12;
	s12 =	smax.u32 s14, $0x1  }
0x10: {  	s17 =	sshrl.u32 s17, $0x3;
	s13 =	sadd.s32 s8, s5;
	s5 =	sadd.s32 s4, s24  }
0x11: {  	s7 =	sadd.s32 s16, s26;
	s29 =	sor.u32 $0x10, s26;
	s8 =	sadd.s32 s15, s26  }
0x12: {  	s31 =	sshrl.u32 s30, $0x3;
	s18 =	sshrl.u32 s18, $0x3;
	s24 =	simm.s32 $0x1  }
0x13: {  	s26 =	simm.s32 $0x2;
	s9 =	sadd.s32 s16, s29;
	s10 =	sadd.s32 s15, s29  }
0x14: {  	s11 =	sadd.s32 $0x33E00, s13;
	s13 =	sadd.s32 s31, s15;
	s14 =	sadd.s32 s31, s16  }
0x15: {  	s15 =	sadd.s32 s18, s15;
	s16 =	sadd.s32 s18, s16;
	s18 =	simm.s32 $0x3  }
.LBB2_1:
0x16: {  	[spmem:s17], [sflag:s6] =	dma.local [hbm:s5], $0x2800  }
0x17: {  	_ =	swait.ge [sflag:s18], $0x2800  }
0x18: {  	[sflag:s18] =	ssyncset.done $0x0  }
0x19: {  	[sflag:s18] =	ssyncadd.s32 $0xFFFFD800  }
0x1a: {  	[bflag:$0x0] =	sbarrier.arrive $0xFFFF  }
0x1b: {  	[tilespmem:s3], [sflag:$0x3] =	stream.linear.gather [hbm4b:s7+s3], $0x80, $0x38;
	[tilespmem:$0x1C200] =	vst v63  }
0x1c: {  	_ =	swait.ge [sflag:s18], $0x80  }
0x1d: {  	[sflag:s18] =	ssyncset.done $0x0  }
0x1e: {  	[sflag:s18] =	ssyncadd.s32 $0xFFFFFF80  }
0x1f: {  	[tilespmem:s19], [sflag:$0x3] =	stream.linear.gather [hbm4b:s8+s3], $0x80, $0x38;
	[tilespmem:$0x1C200] =	vst v63  }
0x20: {  	_ =	swait.ge [sflag:s18], $0x80  }
0x21: {  	[sflag:s18] =	ssyncset.done $0x0  }
0x22: {  	[sflag:s18] =	ssyncadd.s32 $0xFFFFFF80  }
0x23: {  	[tilespmem:s20], [sflag:$0x1] =	stream.indirect.gather [hbm4b:s4+s19], $0x80, s3, s19, $0xb8;
	[tilespmem:$0x1C200] =	vst v63  }
0x24: {  	_ = 	snop  }
0x25: {  	[tilespmem:s21], [sflag:$0x3] =	stream.linear.gather [hbm4b:s9+s3], $0x80, $0x38;
	[tilespmem:$0x1C200] =	vst v63  }
0x26: {  	_ =	swait.ge [sflag:s18], $0x80  }
0x27: {  	[sflag:s18] =	ssyncset.done $0x0  }
0x28: {  	[sflag:s18] =	ssyncadd.s32 $0xFFFFFF80  }
0x29: {  	[tilespmem:s22], [sflag:$0x3] =	stream.linear.gather [hbm4b:s10+s3], $0x80, $0x38;
	[tilespmem:$0x1C200] =	vst v63  }
0x2a: {  	_ =	swait.ge [sflag:s18], $0x80  }
0x2b: {  	[sflag:s18] =	ssyncset.done $0x0  }
0x2c: {  	[sflag:s18] =	ssyncadd.s32 $0xFFFFFF80  }
0x2d: {  	[tilespmem:s23], [sflag:$0x2] =	stream.indirect.gather [hbm4b:s4+s19], $0x80, s21, s19, $0xb8;
	[tilespmem:$0x1C200] =	vst v63  }
0x2e: {  	_ =	swait.ge [sflag:s24], $0x4000  }
0x2f: {  	[sflag:s24] =	ssyncset.done $0x0  }
0x30: {  	[sflag:s24] =	ssyncadd.s32 $0xFFFFC000  }
0x31: {  	[spmem:s2] =	stream.indirect.scatter.add.f32 [tilespmem:s20], [sflag:$0x4], $0x80, s19, s19, $0xb8;
	[tilespmem:$0x1C200] =	vst v63  }
0x32: {  	_ =	swait.ge [sflag:s25], $0x4000  }
0x33: {  	[sflag:s25] =	ssyncset.done $0x0  }
0x34: {  	s29 =	sadd.s32 $0x0, s16;
	[sflag:s25] =	ssyncadd.s32 $0xFFFFC000  }
0x35: {  	[tilespmem:s3], [sflag:$0x4] =	stream.linear.gather [hbm4b:s29+s3], $0x80, $0x38;
	[tilespmem:$0x1C200] =	vst v63  }
0x36: {  	_ =	swait.ge [sflag:s25], $0x80  }
0x37: {  	[sflag:s25] =	ssyncset.done $0x0  }
0x38: {  	[sflag:s25] =	ssyncadd.s32 $0xFFFFFF80  }
0x39: {  	[tilespmem:s20], [sflag:$0x1] =	stream.indirect.gather [hbm4b:s4+s19], $0x80, s3, s19, $0xb8;
	[tilespmem:$0x1C200] =	vst v63  }
0x3a: {  	s29 =	sadd.s32 $0x0, s15  }
0x3b: {  	[tilespmem:s19], [sflag:$0x4] =	stream.linear.gather [hbm4b:s29+s3], $0x80, $0x38;
	[tilespmem:$0x1C200] =	vst v63  }
0x3c: {  	_ =	swait.ge [sflag:s25], $0x80  }
0x3d: {  	[sflag:s25] =	ssyncset.done $0x0  }
0x3e: {  	[sflag:s25] =	ssyncadd.s32 $0xFFFFFF80  }
0x3f: {  	_ =	swait.ge [sflag:s26], $0x4000  }
0x40: {  	[sflag:s26] =	ssyncset.done $0x0  }
0x41: {  	[sflag:s26] =	ssyncadd.s32 $0xFFFFC000  }
0x42: {  	[spmem:s2] =	stream.indirect.scatter.add.f32 [tilespmem:s23], [sflag:$0x4], $0x80, s22, s19, $0xb8;
	[tilespmem:$0x1C200] =	vst v63  }
0x43: {  	_ =	swait.ge [sflag:s25], $0x4000  }
0x44: {  	[sflag:s25] =	ssyncset.done $0x0  }
0x45: {  	s29 =	sadd.s32 $0x0, s14;
	[sflag:s25] =	ssyncadd.s32 $0xFFFFC000  }
0x46: {  	[tilespmem:s21], [sflag:$0x4] =	stream.linear.gather [hbm4b:s29+s3], $0x80, $0x38;
	[tilespmem:$0x1C200] =	vst v63  }
0x47: {  	_ =	swait.ge [sflag:s25], $0x80  }
0x48: {  	[sflag:s25] =	ssyncset.done $0x0  }
0x49: {  	[sflag:s25] =	ssyncadd.s32 $0xFFFFFF80  }
0x4a: {  	[tilespmem:s23], [sflag:$0x2] =	stream.indirect.gather [hbm4b:s4+s19], $0x80, s21, s19, $0xb8;
	[tilespmem:$0x1C200] =	vst v63  }
0x4b: {  	s29 =	sadd.s32 $0x0, s13  }
0x4c: {  	[tilespmem:s22], [sflag:$0x3] =	stream.linear.gather [hbm4b:s29+s3], $0x80, $0x38;
	[tilespmem:$0x1C200] =	vst v63  }
0x4d: {  	_ =	swait.ge [sflag:s18], $0x80  }
0x4e: {  	s29 =	simm.s32 $0x20;
	[sflag:s18] =	ssyncset.done $0x0  }
.LBB2_2:
0x4f: {  	p0 =	sne.s32 s29, $0x4C0  }
0x50: {  	[sflag:s18] =	ssyncadd.s32 $0xFFFFFF80;
	s30 =	smov.u32 s29;
	s29 =	sadd.s32 $0x20, s29  }
0x51: {  	_ = 	snop  }
0x52: {  	_ =	swait.ge [sflag:s24], $0x4000  }
0x53: {  	[sflag:s24] =	ssyncset.done $0x0  }
0x54: {  	[sflag:s24] =	ssyncadd.s32 $0xFFFFC000  }
0x55: {  	[spmem:s2] =	stream.indirect.scatter.add.f32 [tilespmem:s20], [sflag:$0x4], $0x80, s19, s19, $0xb8;
	[tilespmem:$0x1C200] =	vst v63  }
0x56: {  	_ =	swait.ge [sflag:s25], $0x4000  }
0x57: {  	[sflag:s25] =	ssyncset.done $0x0  }
0x58: {  	s31 =	sadd.s32 s30, s16;
	[sflag:s25] =	ssyncadd.s32 $0xFFFFC000  }
0x59: {  	[tilespmem:s3], [sflag:$0x4] =	stream.linear.gather [hbm4b:s31+s3], $0x80, $0x38;
	[tilespmem:$0x1C200] =	vst v63  }
0x5a: {  	_ =	swait.ge [sflag:s25], $0x80  }
0x5b: {  	[sflag:s25] =	ssyncset.done $0x0  }
0x5c: {  	[sflag:s25] =	ssyncadd.s32 $0xFFFFFF80  }
0x5d: {  	[tilespmem:s20], [sflag:$0x1] =	stream.indirect.gather [hbm4b:s4+s19], $0x80, s3, s19, $0xb8;
	[tilespmem:$0x1C200] =	vst v63  }
0x5e: {  	s31 =	sadd.s32 s30, s15  }
0x5f: {  	[tilespmem:s19], [sflag:$0x4] =	stream.linear.gather [hbm4b:s31+s3], $0x80, $0x38;
	[tilespmem:$0x1C200] =	vst v63  }
0x60: {  	_ =	swait.ge [sflag:s25], $0x80  }
0x61: {  	[sflag:s25] =	ssyncset.done $0x0  }
0x62: {  	[sflag:s25] =	ssyncadd.s32 $0xFFFFFF80  }
0x63: {  	_ =	swait.ge [sflag:s26], $0x4000  }
0x64: {  	[sflag:s26] =	ssyncset.done $0x0  }
0x65: {  	[sflag:s26] =	ssyncadd.s32 $0xFFFFC000  }
0x66: {  	[spmem:s2] =	stream.indirect.scatter.add.f32 [tilespmem:s23], [sflag:$0x4], $0x80, s22, s19, $0xb8;
	[tilespmem:$0x1C200] =	vst v63  }
0x67: {  	_ =	swait.ge [sflag:s25], $0x4000  }
0x68: {  	[sflag:s25] =	ssyncset.done $0x0  }
0x69: {  	s31 =	sadd.s32 s30, s14;
	[sflag:s25] =	ssyncadd.s32 $0xFFFFC000  }
0x6a: {  	[tilespmem:s21], [sflag:$0x4] =	stream.linear.gather [hbm4b:s31+s3], $0x80, $0x38;
	[tilespmem:$0x1C200] =	vst v63  }
0x6b: {  	_ =	swait.ge [sflag:s25], $0x80  }
0x6c: {  	[sflag:s25] =	ssyncset.done $0x0  }
0x6d: {  	[sflag:s25] =	ssyncadd.s32 $0xFFFFFF80  }
0x6e: {  	[tilespmem:s23], [sflag:$0x2] =	stream.indirect.gather [hbm4b:s4+s19], $0x80, s21, s19, $0xb8;
	[tilespmem:$0x1C200] =	vst v63  }
.Ltmp0:
0x6f: {  	_ = 	snop;
	(pc) =	sbr.rel @p0 .LBB2_2-.Ltmp0, $4  }
0x70: {  	s30 =	sadd.s32 s30, s13  }
0x71: {  	[tilespmem:s22], [sflag:$0x3] =	stream.linear.gather [hbm4b:s30+s3], $0x80, $0x38;
	[tilespmem:$0x1C200] =	vst v63  }
0x72: {  	_ =	swait.ge [sflag:s18], $0x80  }
0x73: {  	[sflag:s18] =	ssyncset.done $0x0  }
0x74: {  	[sflag:s18] =	ssyncadd.s32 $0xFFFFFF80  }
0x75: {  	_ =	swait.ge [sflag:s24], $0x4000  }
0x76: {  	[sflag:s24] =	ssyncset.done $0x0  }
0x77: {  	[sflag:s24] =	ssyncadd.s32 $0xFFFFC000  }
0x78: {  	[spmem:s2] =	stream.indirect.scatter.add.f32 [tilespmem:s20], [sflag:$0x4], $0x80, s19, s19, $0xb8;
	[tilespmem:$0x1C200] =	vst v63  }
0x79: {  	_ =	swait.ge [sflag:s25], $0x4000  }
0x7a: {  	[sflag:s25] =	ssyncset.done $0x0  }
0x7b: {  	[sflag:s25] =	ssyncadd.s32 $0xFFFFC000  }
0x7c: {  	_ =	swait.ge [sflag:s26], $0x4000  }
0x7d: {  	[sflag:s26] =	ssyncset.done $0x0  }
0x7e: {  	[sflag:s26] =	ssyncadd.s32 $0xFFFFC000  }
0x7f: {  	[spmem:s2] =	stream.indirect.scatter.add.f32 [tilespmem:s23], [sflag:$0x4], $0x80, s22, s19, $0xb8;
	[tilespmem:$0x1C200] =	vst v63  }
0x80: {  	_ =	swait.ge [sflag:s25], $0x4000  }
0x81: {  	s28 =	sadd.s32 $0x1, s28;
	[sflag:s25] =	ssyncset.done $0x0  }
0x82: {  	p0 =	sne.s32 s28, s12;
	[sflag:s25] =	ssyncadd.s32 $0xFFFFC000  }
.Ltmp1:
0x83: {  	[bflag:$0x0] =	sbarrier.arrive $0xFFFF;
	(pc) =	sbr.rel @p0 .LBB2_1-.Ltmp1, $4  }
0x84: {  	[hbm:s11], [sflag:s6] =	dma.local [spmem:s17], $0x2800  }
0x85: {  	_ =	swait.ge [sflag:s18], $0x2800  }
0x86: {  	[sflag:s18] =	ssyncset.done $0x0  }
0x87: {  	[sflag:s18] =	ssyncadd.s32 $0xFFFFD800  }
0x88: {  	_ =	sfence.sel $0x180000  }
0x89: {  	[bflag:$0x0] =	sbarrier.arrive $0xFFFF  }
0x8a: {  	p0 =	sne.s32 s1, $0x0;
	_ =	strace $0x9000004A  }
0x8b: {  	s0 =	sadd.s32 @!p0 $0x100000, s0;
	[bflag:$0x2] =	sbarrier.arrive $0xFFFF  }
0x8c: {  	[sflag:s0] =	ssyncadd.tile.s32 @!p0 $0x1;
	_ =	shalt  }
.Lfunc_end2:
_tile_overlayer_lowered:
.L_overlay_start_2:
0x8d: {  	(tag) =	ssettag $0x2  }
0x8e: {  	s0 =	rddreg [dreg:$0x0];
	s2 =	stileid.u32  }
0x8f: {  	s1 =	rddreg [dreg:$0x1];
	p0 =	sne.s32 s2, $0x0  }
0x90: {  	s3 =	rddreg [dreg:$0x2];
	[bflag:$0x3] =	sbarrier.arrive $0xFFFF;
	s2 =	simm.s32 @!p0 $0x1C03  }
0x91: {  	[timem:s3], [sflag:s2] =	dma.local @!p0 [hbm:s0], s1  }
0x92: {  	s0 =	simm.s32 @!p0 $0x3  }
0x93: {  	_ =	swait.ge @!p0 [sflag:s0], s1  }
0x94: {  	s1 =	ssub.s32 @!p0 $0x0, s1;
	[sflag:s0] =	ssyncset.done @!p0 $0x0  }
0x95: {  	[sflag:s0] =	ssyncadd.s32 @!p0 s1  }
0x96: {  	[bflag:$0x3] =	sbarrier.arrive $0xFFFF  }
0x97: {  	_ =	shalt  }

// kernel: kernel.7.cloned.1.call-start
scs
__scs_entry_jumppad:
0x0: {  	(pc) =	sbr.rel $0x88, $3  }
0x1: {  	(tag) =	ssettag $0x0;
	lr =	simm.s32 $0x1  }
0x2: {  	[smem:$0x3F9D] =	sst lr;
	_ =	strace $0xD0000000  }
0x3: {  	_ = 	snop  }
0x4: {  	_ = 	snop  }
0x5: {  	_ = 	snop  }
0x6: {  	_ = 	snop  }
0x7: {  	_ = 	snop  }
__scs_overlays_trampoline_lowered:
0x8: {  	[smem:$0x3FAC] =	sst s0  }
0x9: {  	[smem:$0x3FAD] =	sst s1  }
0xa: {  	[smem:$0x3FAE] =	sst s2  }
0xb: {  	[smem:$0x3FAF] =	sst s3  }
0xc: {  	[smem:$0x3FB0] =	sst s4  }
0xd: {  	[smem:$0x3FB1] =	sst s5  }
0xe: {  	[smem:$0x3FB2] =	sst s6  }
0xf: {  	[smem:$0x3FB3] =	sst s7  }
0x10: {  	[smem:$0x3FB4] =	sst s8  }
0x11: {  	[smem:$0x3FB5] =	sst s9;
	s0 =	simm.s32 @!p0 $0x0  }
0x12: {  	s1 =	sld [smem:$0x3F9B];
	s0 =	simm.s32 @p0 $0x1  }
0x13: {  	[smem:$0x3FB6] =	sst s0;
	s0 =	simm.s32 @!p1 $0x0  }
0x14: {  	s2 =	sld [smem:$0x3F9A];
	s0 =	simm.s32 @p1 $0x1  }
0x15: {  	[smem:$0x3FB7] =	sst s0;
	s0 =	simm.s32 @!p2 $0x0  }
0x16: {  	s3 =	sld [smem:$0x3FDB];
	s0 =	simm.s32 @p2 $0x1  }
0x17: {  	s4 =	simm.s32 $0x1BF5;
	[smem:$0x3FB9] =	sst s0  }
0x18: {  	s0 =	sld [smem:$0x3F9C];
	_ =	swait.ge [sflag:s4], $0x0  }
0x19: {  	s7 =	sld [smem:$0x3F9D]  }
0x1a: {  	s8 =	sadd.s32 $0xFFFFE003, lr  }
0x1b: {  	s9 =	sadd.s32 $0xFFFFFEF7, lr;
	s5 =	simm.s32 $0xFFFFFFFF;
	p2 =	slt.u32 s8, $0xFFFFF086  }
0x1c: {  	p1 =	slt.u32 s9, $0xF7A;
	s5 =	simm.s32 @!p2 $0x0  }
0x1d: {  	s5 =	simm.s32 @p1 $0x1;
	p0 =	seq.s32 s7, s2  }
0x1e: {  	s7 =	smul.u32 @!p0 $0xF7A, s2;
	p2 =	seq.s32 @!p0 s5, $0x0  }
0x1f: {  	s9 =	smul.u32 $0xF7A, s1;
	s8 =	simm.s32 @!p0 $0x1BF5;
	p2 =	por !p2, p0  }
0x20: {  	[sflag:s8] =	ssyncset.s32 @!p0 $0xFFFFF086;
	s6 =	sadd.s32 @!p0 s3, s7;
	s7 =	simm.s32 @!p0 $0x108  }
0x21: {  	s3 =	sadd.s32 s3, s9;
	s6 =	sadd.s32 @!p0 $0x88, s6;
	s7 =	simm.s32 @p2 $0x1082  }
0x22: {  	[simem:s7], [sflag:s8] =	dma.local @!p0 [hbm:s6], $0xF7A  }
0x23: {  	s9 =	sor.u32 $0xD0000000, s2;
	s6 =	simm.s32 $0x108;
	_ =	swait.ge @!p0 [sflag:s8], $0x0  }
0x24: {  	s3 =	sadd.s32 $0x88, s3;
	s6 =	simm.s32 @!p1 $0x1082;
	[sflag:s4] =	ssyncset.s32 $0xFFFFF086  }
0x25: {  	[simem:s6], [sflag:s4] =	dma.local [hbm:s3], $0xF7A  }
0x26: {  	[smem:$0x3F9D] =	sst s1;
	(tag) =	ssettag s2;
	_ =	strace s9  }
0x27: {  	s1 =	sld [smem:$0x3FAD]  }
0x28: {  	s2 =	sld [smem:$0x3FAE]  }
0x29: {  	s4 =	sld [smem:$0x3FB0]  }
0x2a: {  	p0 =	seq.s32 s5, $0x0;
	s5 =	sld [smem:$0x3FB1]  }
0x2b: {  	s6 =	sld [smem:$0x3FB2]  }
0x2c: {  	s7 =	sld [smem:$0x3FB3]  }
0x2d: {  	s3 =	simm.s32 $0x108;
	s8 =	sld [smem:$0x3FB4]  }
0x2e: {  	s3 =	simm.s32 @!p0 $0x1082;
	s9 =	sld [smem:$0x3FB5]  }
0x2f: {  	lr =	sadd.s32 s0, s3;
	s0 =	sld [smem:$0x3FAC]  }
0x30: {  	s3 =	sld [smem:$0x3FAF]  }
0x31: {  	[smem:$0x3FB8] =	sst s10  }
0x32: {  	s10 =	sld [smem:$0x3FB6];
	_ =	sdelay $0x3  }
0x33: {  	p0 =	seq.s32 s10, $0x1;
	s10 =	sld [smem:$0x3FB8];
	_ =	sdelay $0x3  }
0x34: {  	[smem:$0x3FB8] =	sst s10  }
0x35: {  	s10 =	sld [smem:$0x3FB7];
	_ =	sdelay $0x3  }
0x36: {  	p1 =	seq.s32 s10, $0x1;
	s10 =	sld [smem:$0x3FB8];
	_ =	sdelay $0x3  }
0x37: {  	[smem:$0x3FB8] =	sst s10  }
0x38: {  	s10 =	sld [smem:$0x3FB9]  }
0x39: {  	_ = 	snop;
	(pc) =	sbr.ind lr, $3  }
0x3a: {  	_ = 	snop  }
0x3b: {  	_ = 	snop  }
0x3c: {  	p2 =	seq.s32 s10, $0x1;
	s10 =	sld [smem:$0x3FB8]  }
0x3d: {  	_ =	shalt  }
0x3e: {  	_ =	shalt  }
0x3f: {  	_ =	shalt  }
0x40: {  	_ =	shalt  }
0x41: {  	_ =	shalt  }
0x42: {  	_ =	shalt  }
0x43: {  	_ =	shalt  }
0x44: {  	_ =	shalt  }
0x45: {  	_ =	shalt  }
0x46: {  	_ =	shalt  }
0x47: {  	_ =	shalt  }
0x48: {  	_ =	shalt  }
0x49: {  	_ =	shalt  }
0x4a: {  	_ =	shalt  }
0x4b: {  	_ =	shalt  }
0x4c: {  	_ =	shalt  }
0x4d: {  	_ =	shalt  }
0x4e: {  	_ =	shalt  }
0x4f: {  	_ =	shalt  }
0x50: {  	_ =	shalt  }
0x51: {  	_ =	shalt  }
0x52: {  	_ =	shalt  }
0x53: {  	_ =	shalt  }
0x54: {  	_ =	shalt  }
0x55: {  	_ =	shalt  }
0x56: {  	_ =	shalt  }
0x57: {  	_ =	shalt  }
0x58: {  	_ =	shalt  }
0x59: {  	_ =	shalt  }
0x5a: {  	_ =	shalt  }
0x5b: {  	_ =	shalt  }
0x5c: {  	_ =	shalt  }
0x5d: {  	_ =	shalt  }
0x5e: {  	_ =	shalt  }
0x5f: {  	_ =	shalt  }
0x60: {  	_ =	shalt  }
0x61: {  	_ =	shalt  }
0x62: {  	_ =	shalt  }
0x63: {  	_ =	shalt  }
0x64: {  	_ =	shalt  }
0x65: {  	_ =	shalt  }
0x66: {  	_ =	shalt  }
0x67: {  	_ =	shalt  }
0x68: {  	_ =	shalt  }
0x69: {  	_ =	shalt  }
0x6a: {  	_ =	shalt  }
0x6b: {  	_ =	shalt  }
0x6c: {  	_ =	shalt  }
0x6d: {  	_ =	shalt  }
0x6e: {  	_ =	shalt  }
0x6f: {  	_ =	shalt  }
0x70: {  	_ =	shalt  }
0x71: {  	_ =	shalt  }
0x72: {  	_ =	shalt  }
0x73: {  	_ =	shalt  }
0x74: {  	_ =	shalt  }
0x75: {  	_ =	shalt  }
0x76: {  	_ =	shalt  }
0x77: {  	_ =	shalt  }
0x78: {  	_ =	shalt  }
0x79: {  	_ =	shalt  }
0x7a: {  	_ =	shalt  }
0x7b: {  	_ =	shalt  }
0x7c: {  	_ =	shalt  }
0x7d: {  	_ =	shalt  }
0x7e: {  	_ =	shalt  }
0x7f: {  	_ =	shalt  }
0x80: {  	_ =	shalt  }
0x81: {  	_ =	shalt  }
0x82: {  	_ =	shalt  }
0x83: {  	_ =	shalt  }
0x84: {  	_ =	shalt  }
0x85: {  	_ =	shalt  }
0x86: {  	_ =	shalt  }
0x87: {  	_ =	shalt  }
.Lfunc_end0:
.L_simem_size_0:
called_computation_lowered:
.L_overlay_start_0:
0x88: {  	s2 =	sld [smem:$0x3FD9]  }
0x89: {  	s3 =	sld [smem:$0x3FFE];
	_ =	sdelay $0x1  }
0x8a: {  	s1 =	srdreg.scid  }
0x8b: {  	s0 =	sand.u32 $0x1, s1  }
0x8c: {  	s17 =	sshll.u32 s0, $0xA;
	s2 =	sadd.s32 s3, s2  }
0x8d: {  	s2 =	sadd.s32 s2, s17  }
0x8e: {  	[smem:$0x3FC4] =	sst s2  }
0x8f: {  	_ = 	snop  }
0x90: {  	s2 =	sld [smem:$0x3FD0];
	(tm) =	ssettm $0x1  }
0x91: {  	s18 =	sld [smem:$0x3FFB];
	_ =	sdelay $0x3  }
0x92: {  	_ =	strace s18  }
0x93: {  	s3 =	sld [smem:$0x3FFC];
	_ =	sdelay $0x3  }
0x94: {  	_ =	strace s3  }
0x95: {  	s3 =	sld [smem:$0x3FFD];
	_ =	sdelay $0x3  }
0x96: {  	_ =	strace s3  }
0x97: {  	_ =	strace $0x8FFFFFFF  }
0x98: {  	s19 =	sld [smem:$0x3FDB];
	_ =	sdelay $0x1  }
0x99: {  	s4 =	simm.s32 $_scs_section_size  }
0x9a: {  	s5 =	simm.s32 $_size__tile_overlayer_lowered;
	s6 =	simm.s32 $_tile_overlayer_lowered  }
0x9b: {  	s22 =	simm.s32 $0x1BFF;
	s21 =	sshll.u32 s6, $0x1;
	s3 =	sadd.s32 s4, s19  }
0x9c: {  	s7 =	simm.s32 $0x0;
	s20 =	sshll.u32 s5, $0x1;
	s5 =	sadd.s32 s21, s3  }
0x9d: {  	[timem:s7], [sflag:s22] =	dma.local [hbm:s5], s20  }
0x9e: {  	_ =	swait.ge [sflag:s22], s20  }
0x9f: {  	s4 =	ssub.s32 $0x0, s20;
	[sflag:s22] =	ssyncset.done $0x0  }
0xa0: {  	[sflag:s22] =	ssyncadd.s32 s4;
	_ =	sdelay $0x1  }
0xa1: {  	s23 =	simm.s32 $0x1B8B  }
0xa2: {  	_ =	swait.ge [sflag:s23], $0x1  }
0xa3: {  	[sflag:s23] =	ssyncset.done $0x0  }
0xa4: {  	s25 =	simm.s32 $0x1B8E;
	s24 =	sld [smem:$0x3FFE];
	[sflag:s23] =	ssyncadd.s32 $0xFFFFFFFF  }
0xa5: {  	s26 =	simm.s32 $execute0_lowered;
	[smem:$0x3FD2] =	sst s25  }
0xa6: {  	s5 =	sshll.u32 s26, $0x1;
	_ =	strace $0x80000046;
	[dreg:$0x1] =	wrdreg $0xFFFFFFFF  }
0xa7: {  	s28 =	simm.s32 $_size_execute0_lowered;
	s3 =	sadd.s32 s3, s5;
	[dreg:$0x0] =	wrdreg $0x0  }
0xa8: {  	s5 =	sshll.u32 s28, $0x1;
	[dreg:$0x2] =	wrdreg s3  }
0xa9: {  	[dreg:$0x3] =	wrdreg s5  }
0xaa: {  	[dreg:$0x4] =	wrdreg $0xC0  }
0xab: {  	_ =	task [dreg:s7], $0x5FFFF  }
0xac: {  	[dreg:$0x1] =	wrdreg $0xFFFFFFFF  }
0xad: {  	[dreg:$0x0] =	wrdreg $0x60  }
0xae: {  	[dreg:$0x2] =	wrdreg s2  }
0xaf: {  	[dreg:$0x3] =	wrdreg s24  }
0xb0: {  	[dreg:$0x4] =	wrdreg $0x2B000  }
0xb1: {  	[dreg:$0x5] =	wrdreg $0x9  }
0xb2: {  	_ =	task.clear_ibuf [dreg:s7], $0x6FFFF;
	_ =	strace $0x90000046  }
0xb3: {  	s29 =	simm.s32 $0x9;
	_ =	strace $0x80000048  }
0xb4: {  	_ =	swait.ge [sflag:s29], $0x1  }
0xb5: {  	[sflag:s29] =	ssyncadd.s32 $0xFFFFFFFF  }
0xb6: {  	_ =	strace $0x90000048  }
0xb7: {  	_ =	sfence  }
0xb8: {  	s30 =	sld [smem:$0x0];
	_ =	sdelay $0x2  }
0xb9: {  	s31 =	sshll.u32 s1, $0xD;
	s1 =	sshrl.u32 s1, $0x2  }
0xba: {  	s3 =	sand.u32 $0x4000, s31;
	s1 =	sadd.s32 s1, s30  }
0xbb: {  	s0 =	sor.u32 s3, s0;
	s1 =	sshll.u32 s1, $0x11  }
0xbc: {  	s0 =	sor.u32 s1, s0  }
0xbd: {  	s0 =	sadd.s32 $0x8F2B, s0  }
0xbe: {  	[sflag:s0] =	ssyncadd.remote.s32 $0x1  }
0xbf: {  	_ =	sfence.sel $0xFFFF  }
0xc0: {  	[dreg:$0x0] =	wrdreg $0xFFFFFFFF;
	(pc) =	sbr.abs _section_cstart, $3  }
0xc1: {  	[dreg:$0x1] =	wrdreg $0xFFFFFFFF  }
0xc2: {  	_ =	task.clear_ibuf [dreg:s7], $0x2FFFF;
	_ =	strace $0x9FFFFFFF  }
0xc3: {  	(tm) =	ssettm $0x7FFFFFFF  }
tec
execute0_lowered:
.L_overlay_start_1:
0x0: {  	(tag) =	ssettag $0x1  }
0x1: {  	s4 =	rddreg [dreg:$0x0]  }
0x2: {  	s5 =	rddreg [dreg:$0x1]  }
0x3: {  	s2 =	rddreg [dreg:$0x2]  }
0x4: {  	s0 =	rddreg [dreg:$0x3]  }
0x5: {  	s3 =	simm.s32 $0x0;
	s6 =	srdreg.scid;
	s1 =	stileid.u32  }
0x6: {  	s11 =	simm.s32 $0x2800;
	s14 =	simm.s32 $0x20;
	s15 =	simm.s32 $0x10  }
0x7: {  	s16 =	simm.s32 $0x0;
	[smem:$0x7FF] =	sst s3;
	s7 =	smul.u32 $0x500, s1  }
0x8: {  	s6 =	sand.u32 $0x1, s6;
	s30 =	smul.u32 $0xA00, s1;
	s12 =	sshll.u32 s1, $0x6  }
0x9: {  	_ =	strace $0x80000047;
	s8 =	sshll.u32 s6, $0x7;
	s9 =	sshll.u32 s6, $0x4  }
0xa: {  	s6 =	ssub.s32 $0x2, s6;
	s12 =	sor.u32 $0x1C01, s12;
	s7 =	sor.u32 s8, s7  }
0xb: {  	s29 =	sor.u32 s1, s9;
	s31 =	sshrl.u32 s6, $0x1;
	s9 =	sshrl.u32 s30, $0x2  }
0xc: {  	s7 =	sshrl.u32 s7, $0x3;
	s8 =	smul.u32 $0x500, s29;
	s10 =	ssub.s32 s6, s31  }
0xd: {  	s7 =	sadd.s32 s7, s5;
	s5 =	sadd.s32 s9, s2;
	s9 =	simm.s32 $0x2880  }
0xe: {  	s4 =	sadd.s32 s4, s8;
	s6 =	sadd.s32 $0x1400, s7;
	s7 =	smax.u32 s10, $0x1  }
0xf: {  	v0 =	vimm.f32 $1.000000000e+00;
	v1 =	vimm.f32 $0.0e+00;
	s8 =	simm.s32 $0x1;
	s10 =	simm.s32 $0x80;
	s13 =	sshrl.u32 s5, $0x3  }
.LBB2_1:
0x10: {  	[tilespmem:$0x2800] =	vst v0  }
0x11: {  	[tilespmem:$0x2810] =	vst v0  }
0x12: {  	[tilespmem:$0x2820] =	vst v0  }
0x13: {  	[tilespmem:$0x2830] =	vst v0  }
0x14: {  	[tilespmem:$0x2840] =	vst v0  }
0x15: {  	[tilespmem:$0x2850] =	vst v0  }
0x16: {  	[tilespmem:$0x2860] =	vst v0  }
0x17: {  	[tilespmem:$0x2870] =	vst v0  }
0x18: {  	[tilespmem:$0x2880] =	vst v1  }
0x19: {  	[tilespmem:$0x2890] =	vst v1  }
0x1a: {  	[tilespmem:$0x28A0] =	vst v1  }
0x1b: {  	[tilespmem:$0x28B0] =	vst v1  }
0x1c: {  	[tilespmem:$0x28C0] =	vst v1  }
0x1d: {  	[tilespmem:$0x28D0] =	vst v1  }
0x1e: {  	[tilespmem:$0x28E0] =	vst v1  }
0x1f: {  	[tilespmem:$0x28F0] =	vst v1  }
0x20: {  	[tilespmem:$0x2900] =	vst v1  }
0x21: {  	[tilespmem:$0x2910] =	vst v1  }
0x22: {  	[tilespmem:$0x2920] =	vst v1  }
0x23: {  	[tilespmem:$0x2930] =	vst v1  }
0x24: {  	[tilespmem:$0x2940] =	vst v1  }
0x25: {  	[tilespmem:$0x2950] =	vst v1  }
0x26: {  	[tilespmem:$0x2960] =	vst v1  }
0x27: {  	[tilespmem:$0x2970] =	vst v1  }
0x28: {  	[tilespmem:$0x2980] =	vst v1  }
0x29: {  	[tilespmem:$0x2990] =	vst v1  }
0x2a: {  	[tilespmem:$0x29A0] =	vst v1  }
0x2b: {  	[tilespmem:$0x29B0] =	vst v1  }
0x2c: {  	[tilespmem:$0x29C0] =	vst v1  }
0x2d: {  	[tilespmem:$0x29D0] =	vst v1  }
0x2e: {  	[tilespmem:$0x29E0] =	vst v1  }
0x2f: {  	[tilespmem:$0x29F0] =	vst v1  }
0x30: {  	[tilespmem:$0x2A00] =	vst v1  }
0x31: {  	[tilespmem:$0x2A10] =	vst v1  }
0x32: {  	[tilespmem:$0x2A20] =	vst v1  }
0x33: {  	[tilespmem:$0x2A30] =	vst v1  }
0x34: {  	[tilespmem:$0x2A40] =	vst v1  }
0x35: {  	[tilespmem:$0x2A50] =	vst v1  }
0x36: {  	[tilespmem:$0x2A60] =	vst v1  }
0x37: {  	[tilespmem:$0x2A70] =	vst v1  }
0x38: {  	[tilespmem:$0x2A80] =	vst v1  }
0x39: {  	[tilespmem:$0x2A90] =	vst v1  }
0x3a: {  	[tilespmem:$0x2AA0] =	vst v1  }
0x3b: {  	[tilespmem:$0x2AB0] =	vst v1  }
0x3c: {  	[tilespmem:$0x2AC0] =	vst v1  }
0x3d: {  	[tilespmem:$0x2AD0] =	vst v1  }
0x3e: {  	[tilespmem:$0x2AE0] =	vst v1  }
0x3f: {  	[tilespmem:$0x2AF0] =	vst v1  }
0x40: {  	[tilespmem:s3], [sflag:$0x1] =	stream.linear.gather [hbm4b:s4+s3], $0x2800, $0x38;
	[tilespmem:$0x2D80] =	vst v63  }
0x41: {  	_ =	swait.ge [sflag:s8], $0x2800  }
0x42: {  	[sflag:s8] =	ssyncset.done $0x0  }
0x43: {  	[sflag:s8] =	ssyncadd.s32 $0xFFFFD800  }
0x44: {  	[spmem:s5] =	stream.linear.scatter [tilespmem:s9], [sflag:$0x1], $0x280, $0x38;
	[tilespmem:$0x2D80] =	vst v63  }
0x45: {  	_ =	swait.ge [sflag:s8], $0x280  }
0x46: {  	[sflag:s8] =	ssyncset.done $0x0  }
0x47: {  	[sflag:s8] =	ssyncadd.s32 $0xFFFFFD80  }
0x48: {  	s17 =	simm.s32 $0x0;
	[bflag:$0x0] =	sbarrier.arrive $0xFFFF  }
0x49: {  	[spmem:s2] =	stream.indirect.scatter.add.f32 [tilespmem:s11], [sflag:$0x1], $0x1, s17, s10, $0xb8;
	[tilespmem:$0x2D80] =	vst v63  }
0x4a: {  	_ =	swait.ge [sflag:s8], $0x80  }
0x4b: {  	s17 =	simm.s32 $0x200;
	[sflag:s8] =	ssyncset.done $0x0  }
.LBB2_2:
0x4c: {  	s18 =	sshra.s32 s17, $0x2;
	[sflag:s8] =	ssyncadd.s32 $0xFFFFFF80;
	p0 =	sne.s32 s17, $0x9E00  }
0x4d: {  	[spmem:s2] =	stream.indirect.scatter.add.f32 [tilespmem:s11], [sflag:$0x1], $0x1, s18, s10, $0xb8;
	[tilespmem:$0x2D80] =	vst v63  }
.Ltmp0:
0x4e: {  	_ = 	snop;
	(pc) =	sbr.rel @p0 .LBB2_2-.Ltmp0, $4  }
0x4f: {  	_ = 	snop  }
0x50: {  	s17 =	sadd.s32 $0x200, s17  }
0x51: {  	_ =	swait.ge [sflag:s8], $0x80  }
0x52: {  	[sflag:s8] =	ssyncset.done $0x0  }
0x53: {  	s16 =	sadd.s32 $0x1, s16  }
0x54: {  	[sflag:s8] =	ssyncadd.s32 $0xFFFFFF80;
	p0 =	sne.s32 s16, s7  }
.Ltmp1:
0x55: {  	[bflag:$0x0] =	sbarrier.arrive $0xFFFF;
	(pc) =	sbr.rel @p0 .LBB2_1-.Ltmp1, $4  }
0x56: {  	[hbm:s6@s14], [sflag:s12] =	dma.strided [spmem:s13@s15], $0x50, s8, $0x10   }
0x57: {  	_ =	swait.ge [sflag:s8], $0x50  }
0x58: {  	[sflag:s8] =	ssyncset.done $0x0  }
0x59: {  	[sflag:s8] =	ssyncadd.s32 $0xFFFFFFB0  }
0x5a: {  	_ =	sfence.sel $0x180000  }
0x5b: {  	[bflag:$0x0] =	sbarrier.arrive $0xFFFF  }
0x5c: {  	p0 =	sne.s32 s1, $0x0;
	_ =	strace $0x90000047  }
0x5d: {  	s0 =	sadd.s32 @!p0 $0x100000, s0;
	[bflag:$0x2] =	sbarrier.arrive $0xFFFF  }
0x5e: {  	[sflag:s0] =	ssyncadd.tile.s32 @!p0 $0x1;
	_ =	shalt  }
.Lfunc_end2:
_tile_overlayer_lowered:
.L_overlay_start_2:
0x5f: {  	(tag) =	ssettag $0x2  }
0x60: {  	s0 =	rddreg [dreg:$0x0];
	s2 =	stileid.u32  }
0x61: {  	s1 =	rddreg [dreg:$0x1];
	p0 =	sne.s32 s2, $0x0  }
0x62: {  	s3 =	rddreg [dreg:$0x2];
	[bflag:$0x3] =	sbarrier.arrive $0xFFFF;
	s2 =	simm.s32 @!p0 $0x1C01  }
0x63: {  	[timem:s3], [sflag:s2] =	dma.local @!p0 [hbm:s0], s1  }
0x64: {  	s0 =	simm.s32 @!p0 $0x1  }
0x65: {  	_ =	swait.ge @!p0 [sflag:s0], s1  }
0x66: {  	s1 =	ssub.s32 @!p0 $0x0, s1;
	[sflag:s0] =	ssyncset.done @!p0 $0x0  }
0x67: {  	[sflag:s0] =	ssyncadd.s32 @!p0 s1  }
0x68: {  	[bflag:$0x3] =	sbarrier.arrive $0xFFFF  }
0x69: {  	_ =	shalt  }

</sc_bundles>
